<compile_context>
chip_gen: v7x
topology: tpu7x:2x2x1
jax: 0.10.2.dev20260603
libtpu: 0.0.44.dev20260713+nightly
codegen_flags: <defaults>
</compile_context>

<pallas_src>
import functools

import jax
import jax.numpy as jnp
from jax import lax
from jax.experimental import pallas as pl
from jax.experimental.pallas import tpu as pltpu
from jax.experimental.pallas import tpu_sc as plsc

_B = 16384
_A = 6
_H = 256
_D = 256
_K = 8192

_NH = 2
_BH = _B // _NH
_BB = 2048
_NB = _BH // _BB
_CK = 1024
_NC = _K // _CK

_NW = 32
_BPW = _BH // _NW
_GCH = 64
_NGC = _BPW // _GCH


def _enc_vq_body(act_ref, w1_ref, b1_ref, w2_ref, b2_ref, w3_ref, b3_ref,
                 ebf_ref, idx_ref, vqs_ref):
    f32 = jnp.float32
    cdims = (((1,), (1,)), ((), ()))
    i = pl.program_id(0)
    x = act_ref[...]
    x = jnp.maximum(
        lax.dot_general(x, w1_ref[...], cdims, preferred_element_type=f32)
        + b1_ref[...], 0.0)
    x = jnp.maximum(
        lax.dot_general(x, w2_ref[...], cdims, preferred_element_type=f32)
        + b2_ref[...], 0.0)
    enc = (lax.dot_general(x, w3_ref[...], cdims, preferred_element_type=f32)
           + b3_ref[...])

    encm2 = (enc * -2.0).astype(jnp.bfloat16)
    ones_row = jnp.ones((1, _D), dtype=f32)
    io10 = lax.broadcasted_iota(jnp.int32, (_BB, _CK), 1)
    maskhi = jnp.int32(~0x3FF)
    best = jnp.full((_BB, 1), jnp.inf, dtype=f32)
    bestc = jnp.zeros((_BB, 1), dtype=jnp.int32)
    for c in range(_NC):
        ec = ebf_ref[c * _CK:(c + 1) * _CK, :]
        ecf = ec.astype(f32)
        n2 = lax.dot_general(ones_row, ecf * ecf, cdims,
                             preferred_element_type=f32)
        dots = lax.dot_general(encm2, ec, cdims,
                               preferred_element_type=f32)
        s = dots + n2
        m = lax.bitcast_convert_type(s, jnp.int32)
        packed = lax.bitcast_convert_type((m & maskhi) | io10, f32)
        cm = jnp.min(packed, axis=1, keepdims=True)
        upd = cm < best
        best = jnp.where(upd, cm, best)
        bestc = jnp.where(upd, c, bestc)
    bbits = lax.bitcast_convert_type(best, jnp.int32)
    idx_ref[0] = bestc * _CK + (bbits & 0x3FF)
    sstar = lax.bitcast_convert_type(bbits & maskhi, f32)

    en2 = jnp.sum(enc * enc, axis=1, keepdims=True)
    pv = jnp.sum(en2 + sstar, axis=0, keepdims=True)

    @pl.when(i == 0)
    def _():
        vqs_ref[...] = pv

    @pl.when(i != 0)
    def _():
        vqs_ref[...] += pv


def _dec_loss_body(q_ref, act_ref, w4_ref, b4_ref, w5_ref, b5_ref,
                   w6_ref, b6_ref, rs_ref):
    f32 = jnp.float32
    cdims = (((1,), (1,)), ((), ()))
    i = pl.program_id(0)
    q = q_ref[...]
    h = jnp.maximum(
        lax.dot_general(q, w4_ref[...], cdims, preferred_element_type=f32)
        + b4_ref[...], 0.0)
    h = jnp.maximum(
        lax.dot_general(h, w5_ref[...], cdims, preferred_element_type=f32)
        + b5_ref[...], 0.0)
    r = jnp.tanh(
        lax.dot_general(h, w6_ref[...], cdims, preferred_element_type=f32)
        + b6_ref[...])
    dr = r - act_ref[...]
    pr = jnp.sum(jnp.sum(dr * dr, axis=1, keepdims=True), axis=0,
                 keepdims=True)

    @pl.when(i == 0)
    def _():
        rs_ref[...] = pr

    @pl.when(i != 0)
    def _():
        rs_ref[...] += pr


def _sc_gather(e, idx):
    mesh = plsc.VectorSubcoreMesh(core_axis_name="c", subcore_axis_name="s")

    @functools.partial(
        pl.kernel, mesh=mesh,
        out_type=jax.ShapeDtypeStruct((_BH, _D), jnp.float32),
        scratch_types=[
            pltpu.VMEM((_BPW,), jnp.int32),
            pltpu.VMEM((_NGC, _GCH, _D), jnp.float32),
            pltpu.SemaphoreType.DMA((_NGC,)),
            pltpu.SemaphoreType.DMA,
        ],
    )
    def gk(e_hbm, idx_hbm, out_hbm, idx_v, rows_v, gsem, wsem):
        wid = lax.axis_index("s") * 2 + lax.axis_index("c")
        base = wid * _BPW
        pltpu.sync_copy(idx_hbm.at[pl.ds(base, _BPW)], idx_v)
        gathers = []
        for c in range(_NGC):
            gathers.append(pltpu.async_copy(
                e_hbm.at[idx_v.at[pl.ds(c * _GCH, _GCH)]],
                rows_v.at[c], gsem.at[c]))
        writes = []
        for c in range(_NGC):
            gathers[c].wait()
            writes.append(pltpu.async_copy(
                rows_v.at[c],
                out_hbm.at[pl.ds(base + c * _GCH, _GCH)], wsem))
        for w in writes:
            w.wait()

    return gk(e, idx)


def _enc_vq(action_h, W1, b1r, W2, b2r, W3, b3r, ebf):
    return pl.pallas_call(
        _enc_vq_body,
        grid=(_NB,),
        in_specs=[
            pl.BlockSpec((_BB, _A), lambda i: (i, 0)),
            pl.BlockSpec((_H, _A), lambda i: (0, 0)),
            pl.BlockSpec((1, _H), lambda i: (0, 0)),
            pl.BlockSpec((_H, _H), lambda i: (0, 0)),
            pl.BlockSpec((1, _H), lambda i: (0, 0)),
            pl.BlockSpec((_D, _H), lambda i: (0, 0)),
            pl.BlockSpec((1, _D), lambda i: (0, 0)),
            pl.BlockSpec((_K, _D), lambda i: (0, 0)),
        ],
        out_specs=[
            pl.BlockSpec((1, _BB, 1), lambda i: (i, 0, 0)),
            pl.BlockSpec((1, 1), lambda i: (0, 0)),
        ],
        out_shape=[
            jax.ShapeDtypeStruct((_NB, _BB, 1), jnp.int32),
            jax.ShapeDtypeStruct((1, 1), jnp.float32),
        ],
    )(action_h, W1, b1r, W2, b2r, W3, b3r, ebf)


def _dec_loss(q, action_h, W4, b4r, W5, b5r, W6, b6r):
    return pl.pallas_call(
        _dec_loss_body,
        grid=(_NB,),
        in_specs=[
            pl.BlockSpec((_BB, _D), lambda i: (i, 0)),
            pl.BlockSpec((_BB, _A), lambda i: (i, 0)),
            pl.BlockSpec((_H, _D), lambda i: (0, 0)),
            pl.BlockSpec((1, _H), lambda i: (0, 0)),
            pl.BlockSpec((_H, _H), lambda i: (0, 0)),
            pl.BlockSpec((1, _H), lambda i: (0, 0)),
            pl.BlockSpec((_A, _H), lambda i: (0, 0)),
            pl.BlockSpec((1, _A), lambda i: (0, 0)),
        ],
        out_specs=pl.BlockSpec((1, 1), lambda i: (0, 0)),
        out_shape=jax.ShapeDtypeStruct((1, 1), jnp.float32),
    )(q, action_h, W4, b4r, W5, b5r, W6, b6r)


def kernel(action, W1, b1, W2, b2, W3, b3, E, W4, b4, W5, b5, W6, b6):
    b1r = b1.reshape(1, _H)
    b2r = b2.reshape(1, _H)
    b3r = b3.reshape(1, _D)
    b4r = b4.reshape(1, _H)
    b5r = b5.reshape(1, _H)
    b6r = b6.reshape(1, _A)
    ebf = E.astype(jnp.bfloat16)

    idxs, vq_parts = [], []
    for h in range(_NH):
        a_h = lax.slice_in_dim(action, h * _BH, (h + 1) * _BH, axis=0)
        idx3, vqs = _enc_vq(a_h, W1, b1r, W2, b2r, W3, b3r, ebf)
        idxs.append(idx3.reshape(_BH))
        vq_parts.append(vqs[0, 0])

    qs = [_sc_gather(E, idxs[h]) for h in range(_NH)]

    rs_parts = []
    for h in range(_NH):
        a_h = lax.slice_in_dim(action, h * _BH, (h + 1) * _BH, axis=0)
        rs = _dec_loss(qs[h], a_h, W4, b4r, W5, b5r, W6, b6r)
        rs_parts.append(rs[0, 0])

    rsum = rs_parts[0] + rs_parts[1]
    vqsum = vq_parts[0] + vq_parts[1]
    return rsum / (_B * _A) + 1.25 * vqsum / (_B * _D)

# --- scband reference (transcript-rebuilt; emitter-appended) ---
"""Pipeline reference for scband-action-vqvae-82008105550297 (READ-ONLY COPY).

The authoritative reference and input builder live on the scoring server;
editing this copy changes nothing except your own understanding.
"""

import jax, jax.numpy as jnp
import numpy as np

B = 16384
A = 6
H = 256
D = 256
K = 8192
BETA = 0.25
VQ_LOSS_WEIGHT = 1.0


def _linear_params(k, out_d, in_d):
    bound = 1.0 / np.sqrt(in_d)
    kw, kb = jax.random.split(k)
    W = jax.random.uniform(kw, (out_d, in_d), minval=-bound, maxval=bound, dtype=jnp.float32)
    b = jax.random.uniform(kb, (out_d,), minval=-bound, maxval=bound, dtype=jnp.float32)
    return W, b


def setup_inputs(seed: int = 0) -> dict:
    key = jax.random.key(seed)
    ks = jax.random.split(key, 9)
    action = jax.random.normal(ks[0], (B, A), dtype=jnp.float32)
    W1, b1 = _linear_params(ks[1], H, A)
    W2, b2 = _linear_params(ks[2], H, H)
    W3, b3 = _linear_params(ks[3], D, H)
    E = jax.random.uniform(ks[4], (K, D), minval=-1.0 / K, maxval=1.0 / K, dtype=jnp.float32)
    W4, b4 = _linear_params(ks[5], H, D)
    W5, b5 = _linear_params(ks[6], H, H)
    W6, b6 = _linear_params(ks[7], A, H)
    return {
        'action': action,
        'W1': W1, 'b1': b1, 'W2': W2, 'b2': b2, 'W3': W3, 'b3': b3,
        'E': E,
        'W4': W4, 'b4': b4, 'W5': W5, 'b5': b5, 'W6': W6, 'b6': b6,
    }


def reference(action, W1, b1, W2, b2, W3, b3, E, W4, b4, W5, b5, W6, b6):
    # encoder MLP
    x = jax.nn.relu(action @ W1.T + b1)
    x = jax.nn.relu(x @ W2.T + b2)
    encoding = x @ W3.T + b3  # (B, D)

    # vector quantizer: cdist(p=2) + argmin over K codes
    d2 = (
        jnp.sum(encoding ** 2, axis=1, keepdims=True)
        - 2.0 * (encoding @ E.T)
        + jnp.sum(E ** 2, axis=1)[None, :]
    )
    dist = jnp.sqrt(jnp.clip(d2, 0.0, None))
    quantized_index = jnp.argmin(dist, axis=-1)  # (B,)
    quantized_one_hot = jax.nn.one_hot(quantized_index, K, dtype=encoding.dtype)
    quantized_embedding = quantized_one_hot @ E  # (B, D)

    commitment_loss = jnp.mean((encoding - jax.lax.stop_gradient(quantized_embedding)) ** 2)
    embedding_loss = jnp.mean((quantized_embedding - jax.lax.stop_gradient(encoding)) ** 2)
    vq_loss = commitment_loss * BETA + embedding_loss

    # straight-through estimator
    quantized_st = encoding + jax.lax.stop_gradient(quantized_embedding - encoding)

    # decoder MLP + tanh reconstruction head
    h = jax.nn.relu(quantized_st @ W4.T + b4)
    h = jax.nn.relu(h @ W5.T + b5)
    recons_action = jnp.tanh(h @ W6.T + b6)  # (B, A)

    recons_loss = jnp.mean((recons_action - action) ** 2)
    total_loss = recons_loss + VQ_LOSS_WEIGHT * vq_loss
    return total_loss

if __name__ == "__main__":
    import jax
    _d = setup_inputs()
    print(jax.jit(kernel)(*tuple(_d.values())))

</pallas_src>

<mosaic_0001>
#map = affine_map<(d0, d1) -> (0, 0)>
#map1 = affine_map<(d0, d1) -> (0)>
module attributes {stable_mosaic.version = 14 : i64} {
  func.func @gk(%arg0: i32, %arg1: i32, %arg2: memref<8192x256xf32, #tpu.memory_space<hbm>>, %arg3: memref<8192xi32, #tpu.memory_space<hbm>>, %arg4: memref<8192x256xf32, #tpu.memory_space<hbm>>, %arg5: memref<256xi32, #tpu.memory_space<vmem>>, %arg6: memref<4x64x256xf32, #tpu.memory_space<vmem>>, %arg7: memref<4x!tpu.dma_semaphore, #tpu.memory_space<semaphore_mem>>, %arg8: memref<!tpu.dma_semaphore, #tpu.memory_space<semaphore_mem>>) attributes {dimension_semantics = [#tpu.dimension_semantics<core_parallel>, #tpu.dimension_semantics<subcore_parallel>], iteration_bounds = array<i64: 2, 16>, scalar_prefetch = 0 : i64, scratch_operands = 4 : i64, tpu.core_type = #tpu.core_type<sc_vector_subcore>, window_params = [{transform_indices = #map}, {transform_indices = #map1}, {transform_indices = #map}]} {
    %mul3A = arith.constant 2 : i32
    %mul3A_0 = arith.muli %arg1, %mul3A : i32
    %add3A = arith.addi %mul3A_0, %arg0 : i32
    %mul3A_1 = arith.constant 256 : i32
    %mul3A_2 = arith.muli %add3A, %mul3A_1 : i32
    "tpu.region"() ({
      %run_scoped3A = tpu.sem_alloc : memref<!tpu.dma_semaphore, #tpu.memory_space<semaphore_mem>>
      %dma_start3A_217 = tpu.memref_slice %arg3[%mul3A_2] : memref<8192xi32, #tpu.memory_space<hbm>> -> memref<256xi32, #tpu.memory_space<hbm>>
      %dma_start3A_218 = tpu.memref_slice %arg3[%mul3A_2] : memref<8192xi32, #tpu.memory_space<hbm>> -> memref<256xi32, #tpu.memory_space<hbm>>
      tpu.enqueue_dma source(%dma_start3A_218 : memref<256xi32, #tpu.memory_space<hbm>>) target(%arg5 : memref<256xi32, #tpu.memory_space<vmem>>) target_semaphore(%run_scoped3A : memref<!tpu.dma_semaphore, #tpu.memory_space<semaphore_mem>>)
      %dma_wait3A_219 = tpu.memref_slice %arg3[%mul3A_2] : memref<8192xi32, #tpu.memory_space<hbm>> -> memref<256xi32, #tpu.memory_space<hbm>>
      %dma_wait3A_220 = tpu.memref_slice %arg3[%mul3A_2] : memref<8192xi32, #tpu.memory_space<hbm>> -> memref<256xi32, #tpu.memory_space<hbm>>
      tpu.wait_dma2 semaphore(%run_scoped3A : memref<!tpu.dma_semaphore, #tpu.memory_space<semaphore_mem>>) src(%dma_wait3A_220 : memref<256xi32, #tpu.memory_space<hbm>>) dst(%arg5 : memref<256xi32, #tpu.memory_space<vmem>>)
      tpu.yield
    }) : () -> ()
    %dma_start3A = arith.constant 0 : i32
    %dma_start3A_3 = arith.constant 0 : i32
    %dma_start3A_4 = arith.constant 0 : i32
    %dma_start3A_5 = arith.constant 0 : i32
    %dma_start3A_6 = tpu.memref_slice %arg6[%dma_start3A, %dma_start3A_4, %dma_start3A_5] : memref<4x64x256xf32, #tpu.memory_space<vmem>> -> memref<1x64x256xf32, #tpu.memory_space<vmem>>
    %dma_start3A_7 = tpu.memref_squeeze %dma_start3A_6 : memref<1x64x256xf32, #tpu.memory_space<vmem>> -> memref<64x256xf32, #tpu.memory_space<vmem>>
    %dma_start3A_8 = arith.constant 0 : i32
    %dma_start3A_9 = tpu.memref_slice %arg5[%dma_start3A_8] : memref<256xi32, #tpu.memory_space<vmem>> -> memref<64xi32, #tpu.memory_space<vmem>>
    %dma_start3A_10 = arith.constant 0 : i32
    %dma_start3A_11 = arith.constant 0 : i32
    %dma_start3A_12 = tpu.memref_slice %arg2[%dma_start3A_10, %dma_start3A_11] : memref<8192x256xf32, #tpu.memory_space<hbm>> -> memref<8192x256xf32, #tpu.memory_space<hbm>>
    %dma_start3A_13 = tpu.memref_slice %arg7[%dma_start3A_3] : memref<4x!tpu.dma_semaphore, #tpu.memory_space<semaphore_mem>> -> memref<1x!tpu.dma_semaphore, #tpu.memory_space<semaphore_mem>>
    %dma_start3A_14 = tpu.memref_squeeze %dma_start3A_13 : memref<1x!tpu.dma_semaphore, #tpu.memory_space<semaphore_mem>> -> memref<!tpu.dma_semaphore, #tpu.memory_space<semaphore_mem>>
    tpu.enqueue_indirect_dma source(%dma_start3A_12 : memref<8192x256xf32, #tpu.memory_space<hbm>>) target(%dma_start3A_7 : memref<64x256xf32, #tpu.memory_space<vmem>>) offsets(%dma_start3A_9 : memref<64xi32, #tpu.memory_space<vmem>>) semaphore(%dma_start3A_14 : memref<!tpu.dma_semaphore, #tpu.memory_space<semaphore_mem>>)
    %dma_start3A_15 = arith.constant 1 : i32
    %dma_start3A_16 = arith.constant 1 : i32
    %dma_start3A_17 = arith.constant 0 : i32
    %dma_start3A_18 = arith.constant 0 : i32
    %dma_start3A_19 = tpu.memref_slice %arg6[%dma_start3A_15, %dma_start3A_17, %dma_start3A_18] : memref<4x64x256xf32, #tpu.memory_space<vmem>> -> memref<1x64x256xf32, #tpu.memory_space<vmem>>
    %dma_start3A_20 = tpu.memref_squeeze %dma_start3A_19 : memref<1x64x256xf32, #tpu.memory_space<vmem>> -> memref<64x256xf32, #tpu.memory_space<vmem>>
    %dma_start3A_21 = arith.constant 64 : i32
    %dma_start3A_22 = tpu.memref_slice %arg5[%dma_start3A_21] : memref<256xi32, #tpu.memory_space<vmem>> -> memref<64xi32, #tpu.memory_space<vmem>>
    %dma_start3A_23 = arith.constant 0 : i32
    %dma_start3A_24 = arith.constant 0 : i32
    %dma_start3A_25 = tpu.memref_slice %arg2[%dma_start3A_23, %dma_start3A_24] : memref<8192x256xf32, #tpu.memory_space<hbm>> -> memref<8192x256xf32, #tpu.memory_space<hbm>>
    %dma_start3A_26 = tpu.memref_slice %arg7[%dma_start3A_16] : memref<4x!tpu.dma_semaphore, #tpu.memory_space<semaphore_mem>> -> memref<1x!tpu.dma_semaphore, #tpu.memory_space<semaphore_mem>>
    %dma_start3A_27 = tpu.memref_squeeze %dma_start3A_26 : memref<1x!tpu.dma_semaphore, #tpu.memory_space<semaphore_mem>> -> memref<!tpu.dma_semaphore, #tpu.memory_space<semaphore_mem>>
    tpu.enqueue_indirect_dma source(%dma_start3A_25 : memref<8192x256xf32, #tpu.memory_space<hbm>>) target(%dma_start3A_20 : memref<64x256xf32, #tpu.memory_space<vmem>>) offsets(%dma_start3A_22 : memref<64xi32, #tpu.memory_space<vmem>>) semaphore(%dma_start3A_27 : memref<!tpu.dma_semaphore, #tpu.memory_space<semaphore_mem>>)
    %dma_start3A_28 = arith.constant 2 : i32
    %dma_start3A_29 = arith.constant 2 : i32
    %dma_start3A_30 = arith.constant 0 : i32
    %dma_start3A_31 = arith.constant 0 : i32
    %dma_start3A_32 = tpu.memref_slice %arg6[%dma_start3A_28, %dma_start3A_30, %dma_start3A_31] : memref<4x64x256xf32, #tpu.memory_space<vmem>> -> memref<1x64x256xf32, #tpu.memory_space<vmem>>
    %dma_start3A_33 = tpu.memref_squeeze %dma_start3A_32 : memref<1x64x256xf32, #tpu.memory_space<vmem>> -> memref<64x256xf32, #tpu.memory_space<vmem>>
    %dma_start3A_34 = arith.constant 128 : i32
    %dma_start3A_35 = tpu.memref_slice %arg5[%dma_start3A_34] : memref<256xi32, #tpu.memory_space<vmem>> -> memref<64xi32, #tpu.memory_space<vmem>>
    %dma_start3A_36 = arith.constant 0 : i32
    %dma_start3A_37 = arith.constant 0 : i32
    %dma_start3A_38 = tpu.memref_slice %arg2[%dma_start3A_36, %dma_start3A_37] : memref<8192x256xf32, #tpu.memory_space<hbm>> -> memref<8192x256xf32, #tpu.memory_space<hbm>>
    %dma_start3A_39 = tpu.memref_slice %arg7[%dma_start3A_29] : memref<4x!tpu.dma_semaphore, #tpu.memory_space<semaphore_mem>> -> memref<1x!tpu.dma_semaphore, #tpu.memory_space<semaphore_mem>>
    %dma_start3A_40 = tpu.memref_squeeze %dma_start3A_39 : memref<1x!tpu.dma_semaphore, #tpu.memory_space<semaphore_mem>> -> memref<!tpu.dma_semaphore, #tpu.memory_space<semaphore_mem>>
    tpu.enqueue_indirect_dma source(%dma_start3A_38 : memref<8192x256xf32, #tpu.memory_space<hbm>>) target(%dma_start3A_33 : memref<64x256xf32, #tpu.memory_space<vmem>>) offsets(%dma_start3A_35 : memref<64xi32, #tpu.memory_space<vmem>>) semaphore(%dma_start3A_40 : memref<!tpu.dma_semaphore, #tpu.memory_space<semaphore_mem>>)
    %dma_start3A_41 = arith.constant 3 : i32
    %dma_start3A_42 = arith.constant 3 : i32
    %dma_start3A_43 = arith.constant 0 : i32
    %dma_start3A_44 = arith.constant 0 : i32
    %dma_start3A_45 = tpu.memref_slice %arg6[%dma_start3A_41, %dma_start3A_43, %dma_start3A_44] : memref<4x64x256xf32, #tpu.memory_space<vmem>> -> memref<1x64x256xf32, #tpu.memory_space<vmem>>
    %dma_start3A_46 = tpu.memref_squeeze %dma_start3A_45 : memref<1x64x256xf32, #tpu.memory_space<vmem>> -> memref<64x256xf32, #tpu.memory_space<vmem>>
    %dma_start3A_47 = arith.constant 192 : i32
    %dma_start3A_48 = tpu.memref_slice %arg5[%dma_start3A_47] : memref<256xi32, #tpu.memory_space<vmem>> -> memref<64xi32, #tpu.memory_space<vmem>>
    %dma_start3A_49 = arith.constant 0 : i32
    %dma_start3A_50 = arith.constant 0 : i32
    %dma_start3A_51 = tpu.memref_slice %arg2[%dma_start3A_49, %dma_start3A_50] : memref<8192x256xf32, #tpu.memory_space<hbm>> -> memref<8192x256xf32, #tpu.memory_space<hbm>>
    %dma_start3A_52 = tpu.memref_slice %arg7[%dma_start3A_42] : memref<4x!tpu.dma_semaphore, #tpu.memory_space<semaphore_mem>> -> memref<1x!tpu.dma_semaphore, #tpu.memory_space<semaphore_mem>>
    %dma_start3A_53 = tpu.memref_squeeze %dma_start3A_52 : memref<1x!tpu.dma_semaphore, #tpu.memory_space<semaphore_mem>> -> memref<!tpu.dma_semaphore, #tpu.memory_space<semaphore_mem>>
    tpu.enqueue_indirect_dma source(%dma_start3A_51 : memref<8192x256xf32, #tpu.memory_space<hbm>>) target(%dma_start3A_46 : memref<64x256xf32, #tpu.memory_space<vmem>>) offsets(%dma_start3A_48 : memref<64xi32, #tpu.memory_space<vmem>>) semaphore(%dma_start3A_53 : memref<!tpu.dma_semaphore, #tpu.memory_space<semaphore_mem>>)
    %dma_wait3A = arith.constant 0 : i32
    %dma_wait3A_54 = arith.constant 0 : i32
    %dma_wait3A_55 = arith.constant 0 : i32
    %dma_wait3A_56 = arith.constant 0 : i32
    %dma_wait3A_57 = tpu.memref_slice %arg6[%dma_wait3A, %dma_wait3A_55, %dma_wait3A_56] : memref<4x64x256xf32, #tpu.memory_space<vmem>> -> memref<1x64x256xf32, #tpu.memory_space<vmem>>
    %dma_wait3A_58 = tpu.memref_squeeze %dma_wait3A_57 : memref<1x64x256xf32, #tpu.memory_space<vmem>> -> memref<64x256xf32, #tpu.memory_space<vmem>>
    %dma_wait3A_59 = arith.constant 0 : i32
    %dma_wait3A_60 = tpu.memref_slice %arg5[%dma_wait3A_59] : memref<256xi32, #tpu.memory_space<vmem>> -> memref<64xi32, #tpu.memory_space<vmem>>
    %dma_wait3A_61 = arith.constant 0 : i32
    %dma_wait3A_62 = arith.constant 0 : i32
    %dma_wait3A_63 = tpu.memref_slice %arg2[%dma_wait3A_61, %dma_wait3A_62] : memref<8192x256xf32, #tpu.memory_space<hbm>> -> memref<8192x256xf32, #tpu.memory_space<hbm>>
    %dma_wait3A_64 = tpu.memref_slice %arg7[%dma_wait3A_54] : memref<4x!tpu.dma_semaphore, #tpu.memory_space<semaphore_mem>> -> memref<1x!tpu.dma_semaphore, #tpu.memory_space<semaphore_mem>>
    %dma_wait3A_65 = tpu.memref_squeeze %dma_wait3A_64 : memref<1x!tpu.dma_semaphore, #tpu.memory_space<semaphore_mem>> -> memref<!tpu.dma_semaphore, #tpu.memory_space<semaphore_mem>>
    tpu.wait_indirect_dma semaphore(%dma_wait3A_65 : memref<!tpu.dma_semaphore, #tpu.memory_space<semaphore_mem>>) src(%dma_wait3A_63 : memref<8192x256xf32, #tpu.memory_space<hbm>>) dst(%dma_wait3A_58 : memref<64x256xf32, #tpu.memory_space<vmem>>)
    %add3A_66 = arith.constant 0 : i32
    %add3A_67 = arith.addi %mul3A_2, %add3A_66 : i32
    %dma_start3A_68 = arith.constant 0 : i32
    %dma_start3A_69 = arith.constant 0 : i32
    %dma_start3A_70 = arith.constant 0 : i32
    %dma_start3A_71 = tpu.memref_slice %arg6[%dma_start3A_68, %dma_start3A_69, %dma_start3A_70] : memref<4x64x256xf32, #tpu.memory_space<vmem>> -> memref<1x64x256xf32, #tpu.memory_space<vmem>>
    %dma_start3A_72 = tpu.memref_squeeze %dma_start3A_71 : memref<1x64x256xf32, #tpu.memory_space<vmem>> -> memref<64x256xf32, #tpu.memory_space<vmem>>
    %dma_start3A_73 = arith.constant 0 : i32
    %dma_start3A_74 = tpu.memref_slice %arg4[%add3A_67, %dma_start3A_73] : memref<8192x256xf32, #tpu.memory_space<hbm>> -> memref<64x256xf32, #tpu.memory_space<hbm>>
    %dma_start3A_75 = arith.constant 0 : i32
    %dma_start3A_76 = tpu.memref_slice %arg4[%add3A_67, %dma_start3A_75] : memref<8192x256xf32, #tpu.memory_space<hbm>> -> memref<64x256xf32, #tpu.memory_space<hbm>>
    %dma_start3A_77 = arith.constant 0 : i32
    %dma_start3A_78 = arith.constant 0 : i32
    %dma_start3A_79 = tpu.memref_slice %arg6[%dma_start3A_68, %dma_start3A_77, %dma_start3A_78] : memref<4x64x256xf32, #tpu.memory_space<vmem>> -> memref<1x64x256xf32, #tpu.memory_space<vmem>>
    %dma_start3A_80 = tpu.memref_squeeze %dma_start3A_79 : memref<1x64x256xf32, #tpu.memory_space<vmem>> -> memref<64x256xf32, #tpu.memory_space<vmem>>
    tpu.enqueue_dma source(%dma_start3A_80 : memref<64x256xf32, #tpu.memory_space<vmem>>) target(%dma_start3A_76 : memref<64x256xf32, #tpu.memory_space<hbm>>) target_semaphore(%arg8 : memref<!tpu.dma_semaphore, #tpu.memory_space<semaphore_mem>>)
    %dma_wait3A_81 = arith.constant 1 : i32
    %dma_wait3A_82 = arith.constant 1 : i32
    %dma_wait3A_83 = arith.constant 0 : i32
    %dma_wait3A_84 = arith.constant 0 : i32
    %dma_wait3A_85 = tpu.memref_slice %arg6[%dma_wait3A_81, %dma_wait3A_83, %dma_wait3A_84] : memref<4x64x256xf32, #tpu.memory_space<vmem>> -> memref<1x64x256xf32, #tpu.memory_space<vmem>>
    %dma_wait3A_86 = tpu.memref_squeeze %dma_wait3A_85 : memref<1x64x256xf32, #tpu.memory_space<vmem>> -> memref<64x256xf32, #tpu.memory_space<vmem>>
    %dma_wait3A_87 = arith.constant 64 : i32
    %dma_wait3A_88 = tpu.memref_slice %arg5[%dma_wait3A_87] : memref<256xi32, #tpu.memory_space<vmem>> -> memref<64xi32, #tpu.memory_space<vmem>>
    %dma_wait3A_89 = arith.constant 0 : i32
    %dma_wait3A_90 = arith.constant 0 : i32
    %dma_wait3A_91 = tpu.memref_slice %arg2[%dma_wait3A_89, %dma_wait3A_90] : memref<8192x256xf32, #tpu.memory_space<hbm>> -> memref<8192x256xf32, #tpu.memory_space<hbm>>
    %dma_wait3A_92 = tpu.memref_slice %arg7[%dma_wait3A_82] : memref<4x!tpu.dma_semaphore, #tpu.memory_space<semaphore_mem>> -> memref<1x!tpu.dma_semaphore, #tpu.memory_space<semaphore_mem>>
    %dma_wait3A_93 = tpu.memref_squeeze %dma_wait3A_92 : memref<1x!tpu.dma_semaphore, #tpu.memory_space<semaphore_mem>> -> memref<!tpu.dma_semaphore, #tpu.memory_space<semaphore_mem>>
    tpu.wait_indirect_dma semaphore(%dma_wait3A_93 : memref<!tpu.dma_semaphore, #tpu.memory_space<semaphore_mem>>) src(%dma_wait3A_91 : memref<8192x256xf32, #tpu.memory_space<hbm>>) dst(%dma_wait3A_86 : memref<64x256xf32, #tpu.memory_space<vmem>>)
    %add3A_94 = arith.constant 64 : i32
    %add3A_95 = arith.addi %mul3A_2, %add3A_94 : i32
    %dma_start3A_96 = arith.constant 1 : i32
    %dma_start3A_97 = arith.constant 0 : i32
    %dma_start3A_98 = arith.constant 0 : i32
    %dma_start3A_99 = tpu.memref_slice %arg6[%dma_start3A_96, %dma_start3A_97, %dma_start3A_98] : memref<4x64x256xf32, #tpu.memory_space<vmem>> -> memref<1x64x256xf32, #tpu.memory_space<vmem>>
    %dma_start3A_100 = tpu.memref_squeeze %dma_start3A_99 : memref<1x64x256xf32, #tpu.memory_space<vmem>> -> memref<64x256xf32, #tpu.memory_space<vmem>>
    %dma_start3A_101 = arith.constant 0 : i32
    %dma_start3A_102 = tpu.memref_slice %arg4[%add3A_95, %dma_start3A_101] : memref<8192x256xf32, #tpu.memory_space<hbm>> -> memref<64x256xf32, #tpu.memory_space<hbm>>
    %dma_start3A_103 = arith.constant 0 : i32
    %dma_start3A_104 = tpu.memref_slice %arg4[%add3A_95, %dma_start3A_103] : memref<8192x256xf32, #tpu.memory_space<hbm>> -> memref<64x256xf32, #tpu.memory_space<hbm>>
    %dma_start3A_105 = arith.constant 0 : i32
    %dma_start3A_106 = arith.constant 0 : i32
    %dma_start3A_107 = tpu.memref_slice %arg6[%dma_start3A_96, %dma_start3A_105, %dma_start3A_106] : memref<4x64x256xf32, #tpu.memory_space<vmem>> -> memref<1x64x256xf32, #tpu.memory_space<vmem>>
    %dma_start3A_108 = tpu.memref_squeeze %dma_start3A_107 : memref<1x64x256xf32, #tpu.memory_space<vmem>> -> memref<64x256xf32, #tpu.memory_space<vmem>>
    tpu.enqueue_dma source(%dma_start3A_108 : memref<64x256xf32, #tpu.memory_space<vmem>>) target(%dma_start3A_104 : memref<64x256xf32, #tpu.memory_space<hbm>>) target_semaphore(%arg8 : memref<!tpu.dma_semaphore, #tpu.memory_space<semaphore_mem>>)
    %dma_wait3A_109 = arith.constant 2 : i32
    %dma_wait3A_110 = arith.constant 2 : i32
    %dma_wait3A_111 = arith.constant 0 : i32
    %dma_wait3A_112 = arith.constant 0 : i32
    %dma_wait3A_113 = tpu.memref_slice %arg6[%dma_wait3A_109, %dma_wait3A_111, %dma_wait3A_112] : memref<4x64x256xf32, #tpu.memory_space<vmem>> -> memref<1x64x256xf32, #tpu.memory_space<vmem>>
    %dma_wait3A_114 = tpu.memref_squeeze %dma_wait3A_113 : memref<1x64x256xf32, #tpu.memory_space<vmem>> -> memref<64x256xf32, #tpu.memory_space<vmem>>
    %dma_wait3A_115 = arith.constant 128 : i32
    %dma_wait3A_116 = tpu.memref_slice %arg5[%dma_wait3A_115] : memref<256xi32, #tpu.memory_space<vmem>> -> memref<64xi32, #tpu.memory_space<vmem>>
    %dma_wait3A_117 = arith.constant 0 : i32
    %dma_wait3A_118 = arith.constant 0 : i32
    %dma_wait3A_119 = tpu.memref_slice %arg2[%dma_wait3A_117, %dma_wait3A_118] : memref<8192x256xf32, #tpu.memory_space<hbm>> -> memref<8192x256xf32, #tpu.memory_space<hbm>>
    %dma_wait3A_120 = tpu.memref_slice %arg7[%dma_wait3A_110] : memref<4x!tpu.dma_semaphore, #tpu.memory_space<semaphore_mem>> -> memref<1x!tpu.dma_semaphore, #tpu.memory_space<semaphore_mem>>
    %dma_wait3A_121 = tpu.memref_squeeze %dma_wait3A_120 : memref<1x!tpu.dma_semaphore, #tpu.memory_space<semaphore_mem>> -> memref<!tpu.dma_semaphore, #tpu.memory_space<semaphore_mem>>
    tpu.wait_indirect_dma semaphore(%dma_wait3A_121 : memref<!tpu.dma_semaphore, #tpu.memory_space<semaphore_mem>>) src(%dma_wait3A_119 : memref<8192x256xf32, #tpu.memory_space<hbm>>) dst(%dma_wait3A_114 : memref<64x256xf32, #tpu.memory_space<vmem>>)
    %add3A_122 = arith.constant 128 : i32
    %add3A_123 = arith.addi %mul3A_2, %add3A_122 : i32
    %dma_start3A_124 = arith.constant 2 : i32
    %dma_start3A_125 = arith.constant 0 : i32
    %dma_start3A_126 = arith.constant 0 : i32
    %dma_start3A_127 = tpu.memref_slice %arg6[%dma_start3A_124, %dma_start3A_125, %dma_start3A_126] : memref<4x64x256xf32, #tpu.memory_space<vmem>> -> memref<1x64x256xf32, #tpu.memory_space<vmem>>
    %dma_start3A_128 = tpu.memref_squeeze %dma_start3A_127 : memref<1x64x256xf32, #tpu.memory_space<vmem>> -> memref<64x256xf32, #tpu.memory_space<vmem>>
    %dma_start3A_129 = arith.constant 0 : i32
    %dma_start3A_130 = tpu.memref_slice %arg4[%add3A_123, %dma_start3A_129] : memref<8192x256xf32, #tpu.memory_space<hbm>> -> memref<64x256xf32, #tpu.memory_space<hbm>>
    %dma_start3A_131 = arith.constant 0 : i32
    %dma_start3A_132 = tpu.memref_slice %arg4[%add3A_123, %dma_start3A_131] : memref<8192x256xf32, #tpu.memory_space<hbm>> -> memref<64x256xf32, #tpu.memory_space<hbm>>
    %dma_start3A_133 = arith.constant 0 : i32
    %dma_start3A_134 = arith.constant 0 : i32
    %dma_start3A_135 = tpu.memref_slice %arg6[%dma_start3A_124, %dma_start3A_133, %dma_start3A_134] : memref<4x64x256xf32, #tpu.memory_space<vmem>> -> memref<1x64x256xf32, #tpu.memory_space<vmem>>
    %dma_start3A_136 = tpu.memref_squeeze %dma_start3A_135 : memref<1x64x256xf32, #tpu.memory_space<vmem>> -> memref<64x256xf32, #tpu.memory_space<vmem>>
    tpu.enqueue_dma source(%dma_start3A_136 : memref<64x256xf32, #tpu.memory_space<vmem>>) target(%dma_start3A_132 : memref<64x256xf32, #tpu.memory_space<hbm>>) target_semaphore(%arg8 : memref<!tpu.dma_semaphore, #tpu.memory_space<semaphore_mem>>)
    %dma_wait3A_137 = arith.constant 3 : i32
    %dma_wait3A_138 = arith.constant 3 : i32
    %dma_wait3A_139 = arith.constant 0 : i32
    %dma_wait3A_140 = arith.constant 0 : i32
    %dma_wait3A_141 = tpu.memref_slice %arg6[%dma_wait3A_137, %dma_wait3A_139, %dma_wait3A_140] : memref<4x64x256xf32, #tpu.memory_space<vmem>> -> memref<1x64x256xf32, #tpu.memory_space<vmem>>
    %dma_wait3A_142 = tpu.memref_squeeze %dma_wait3A_141 : memref<1x64x256xf32, #tpu.memory_space<vmem>> -> memref<64x256xf32, #tpu.memory_space<vmem>>
    %dma_wait3A_143 = arith.constant 192 : i32
    %dma_wait3A_144 = tpu.memref_slice %arg5[%dma_wait3A_143] : memref<256xi32, #tpu.memory_space<vmem>> -> memref<64xi32, #tpu.memory_space<vmem>>
    %dma_wait3A_145 = arith.constant 0 : i32
    %dma_wait3A_146 = arith.constant 0 : i32
    %dma_wait3A_147 = tpu.memref_slice %arg2[%dma_wait3A_145, %dma_wait3A_146] : memref<8192x256xf32, #tpu.memory_space<hbm>> -> memref<8192x256xf32, #tpu.memory_space<hbm>>
    %dma_wait3A_148 = tpu.memref_slice %arg7[%dma_wait3A_138] : memref<4x!tpu.dma_semaphore, #tpu.memory_space<semaphore_mem>> -> memref<1x!tpu.dma_semaphore, #tpu.memory_space<semaphore_mem>>
    %dma_wait3A_149 = tpu.memref_squeeze %dma_wait3A_148 : memref<1x!tpu.dma_semaphore, #tpu.memory_space<semaphore_mem>> -> memref<!tpu.dma_semaphore, #tpu.memory_space<semaphore_mem>>
    tpu.wait_indirect_dma semaphore(%dma_wait3A_149 : memref<!tpu.dma_semaphore, #tpu.memory_space<semaphore_mem>>) src(%dma_wait3A_147 : memref<8192x256xf32, #tpu.memory_space<hbm>>) dst(%dma_wait3A_142 : memref<64x256xf32, #tpu.memory_space<vmem>>)
    %add3A_150 = arith.constant 192 : i32
    %add3A_151 = arith.addi %mul3A_2, %add3A_150 : i32
    %dma_start3A_152 = arith.constant 3 : i32
    %dma_start3A_153 = arith.constant 0 : i32
    %dma_start3A_154 = arith.constant 0 : i32
    %dma_start3A_155 = tpu.memref_slice %arg6[%dma_start3A_152, %dma_start3A_153, %dma_start3A_154] : memref<4x64x256xf32, #tpu.memory_space<vmem>> -> memref<1x64x256xf32, #tpu.memory_space<vmem>>
    %dma_start3A_156 = tpu.memref_squeeze %dma_start3A_155 : memref<1x64x256xf32, #tpu.memory_space<vmem>> -> memref<64x256xf32, #tpu.memory_space<vmem>>
    %dma_start3A_157 = arith.constant 0 : i32
    %dma_start3A_158 = tpu.memref_slice %arg4[%add3A_151, %dma_start3A_157] : memref<8192x256xf32, #tpu.memory_space<hbm>> -> memref<64x256xf32, #tpu.memory_space<hbm>>
    %dma_start3A_159 = arith.constant 0 : i32
    %dma_start3A_160 = tpu.memref_slice %arg4[%add3A_151, %dma_start3A_159] : memref<8192x256xf32, #tpu.memory_space<hbm>> -> memref<64x256xf32, #tpu.memory_space<hbm>>
    %dma_start3A_161 = arith.constant 0 : i32
    %dma_start3A_162 = arith.constant 0 : i32
    %dma_start3A_163 = tpu.memref_slice %arg6[%dma_start3A_152, %dma_start3A_161, %dma_start3A_162] : memref<4x64x256xf32, #tpu.memory_space<vmem>> -> memref<1x64x256xf32, #tpu.memory_space<vmem>>
    %dma_start3A_164 = tpu.memref_squeeze %dma_start3A_163 : memref<1x64x256xf32, #tpu.memory_space<vmem>> -> memref<64x256xf32, #tpu.memory_space<vmem>>
    tpu.enqueue_dma source(%dma_start3A_164 : memref<64x256xf32, #tpu.memory_space<vmem>>) target(%dma_start3A_160 : memref<64x256xf32, #tpu.memory_space<hbm>>) target_semaphore(%arg8 : memref<!tpu.dma_semaphore, #tpu.memory_space<semaphore_mem>>)
    %dma_wait3A_165 = arith.constant 0 : i32
    %dma_wait3A_166 = arith.constant 0 : i32
    %dma_wait3A_167 = arith.constant 0 : i32
    %dma_wait3A_168 = tpu.memref_slice %arg6[%dma_wait3A_165, %dma_wait3A_166, %dma_wait3A_167] : memref<4x64x256xf32, #tpu.memory_space<vmem>> -> memref<1x64x256xf32, #tpu.memory_space<vmem>>
    %dma_wait3A_169 = tpu.memref_squeeze %dma_wait3A_168 : memref<1x64x256xf32, #tpu.memory_space<vmem>> -> memref<64x256xf32, #tpu.memory_space<vmem>>
    %dma_wait3A_170 = arith.constant 0 : i32
    %dma_wait3A_171 = tpu.memref_slice %arg4[%add3A_67, %dma_wait3A_170] : memref<8192x256xf32, #tpu.memory_space<hbm>> -> memref<64x256xf32, #tpu.memory_space<hbm>>
    %dma_wait3A_172 = arith.constant 0 : i32
    %dma_wait3A_173 = tpu.memref_slice %arg4[%add3A_67, %dma_wait3A_172] : memref<8192x256xf32, #tpu.memory_space<hbm>> -> memref<64x256xf32, #tpu.memory_space<hbm>>
    %dma_wait3A_174 = arith.constant 0 : i32
    %dma_wait3A_175 = arith.constant 0 : i32
    %dma_wait3A_176 = tpu.memref_slice %arg6[%dma_wait3A_165, %dma_wait3A_174, %dma_wait3A_175] : memref<4x64x256xf32, #tpu.memory_space<vmem>> -> memref<1x64x256xf32, #tpu.memory_space<vmem>>
    %dma_wait3A_177 = tpu.memref_squeeze %dma_wait3A_176 : memref<1x64x256xf32, #tpu.memory_space<vmem>> -> memref<64x256xf32, #tpu.memory_space<vmem>>
    tpu.wait_dma2 semaphore(%arg8 : memref<!tpu.dma_semaphore, #tpu.memory_space<semaphore_mem>>) src(%dma_wait3A_177 : memref<64x256xf32, #tpu.memory_space<vmem>>) dst(%dma_wait3A_173 : memref<64x256xf32, #tpu.memory_space<hbm>>)
    %dma_wait3A_178 = arith.constant 1 : i32
    %dma_wait3A_179 = arith.constant 0 : i32
    %dma_wait3A_180 = arith.constant 0 : i32
    %dma_wait3A_181 = tpu.memref_slice %arg6[%dma_wait3A_178, %dma_wait3A_179, %dma_wait3A_180] : memref<4x64x256xf32, #tpu.memory_space<vmem>> -> memref<1x64x256xf32, #tpu.memory_space<vmem>>
    %dma_wait3A_182 = tpu.memref_squeeze %dma_wait3A_181 : memref<1x64x256xf32, #tpu.memory_space<vmem>> -> memref<64x256xf32, #tpu.memory_space<vmem>>
    %dma_wait3A_183 = arith.constant 0 : i32
    %dma_wait3A_184 = tpu.memref_slice %arg4[%add3A_95, %dma_wait3A_183] : memref<8192x256xf32, #tpu.memory_space<hbm>> -> memref<64x256xf32, #tpu.memory_space<hbm>>
    %dma_wait3A_185 = arith.constant 0 : i32
    %dma_wait3A_186 = tpu.memref_slice %arg4[%add3A_95, %dma_wait3A_185] : memref<8192x256xf32, #tpu.memory_space<hbm>> -> memref<64x256xf32, #tpu.memory_space<hbm>>
    %dma_wait3A_187 = arith.constant 0 : i32
    %dma_wait3A_188 = arith.constant 0 : i32
    %dma_wait3A_189 = tpu.memref_slice %arg6[%dma_wait3A_178, %dma_wait3A_187, %dma_wait3A_188] : memref<4x64x256xf32, #tpu.memory_space<vmem>> -> memref<1x64x256xf32, #tpu.memory_space<vmem>>
    %dma_wait3A_190 = tpu.memref_squeeze %dma_wait3A_189 : memref<1x64x256xf32, #tpu.memory_space<vmem>> -> memref<64x256xf32, #tpu.memory_space<vmem>>
    tpu.wait_dma2 semaphore(%arg8 : memref<!tpu.dma_semaphore, #tpu.memory_space<semaphore_mem>>) src(%dma_wait3A_190 : memref<64x256xf32, #tpu.memory_space<vmem>>) dst(%dma_wait3A_186 : memref<64x256xf32, #tpu.memory_space<hbm>>)
    %dma_wait3A_191 = arith.constant 2 : i32
    %dma_wait3A_192 = arith.constant 0 : i32
    %dma_wait3A_193 = arith.constant 0 : i32
    %dma_wait3A_194 = tpu.memref_slice %arg6[%dma_wait3A_191, %dma_wait3A_192, %dma_wait3A_193] : memref<4x64x256xf32, #tpu.memory_space<vmem>> -> memref<1x64x256xf32, #tpu.memory_space<vmem>>
    %dma_wait3A_195 = tpu.memref_squeeze %dma_wait3A_194 : memref<1x64x256xf32, #tpu.memory_space<vmem>> -> memref<64x256xf32, #tpu.memory_space<vmem>>
    %dma_wait3A_196 = arith.constant 0 : i32
    %dma_wait3A_197 = tpu.memref_slice %arg4[%add3A_123, %dma_wait3A_196] : memref<8192x256xf32, #tpu.memory_space<hbm>> -> memref<64x256xf32, #tpu.memory_space<hbm>>
    %dma_wait3A_198 = arith.constant 0 : i32
    %dma_wait3A_199 = tpu.memref_slice %arg4[%add3A_123, %dma_wait3A_198] : memref<8192x256xf32, #tpu.memory_space<hbm>> -> memref<64x256xf32, #tpu.memory_space<hbm>>
    %dma_wait3A_200 = arith.constant 0 : i32
    %dma_wait3A_201 = arith.constant 0 : i32
    %dma_wait3A_202 = tpu.memref_slice %arg6[%dma_wait3A_191, %dma_wait3A_200, %dma_wait3A_201] : memref<4x64x256xf32, #tpu.memory_space<vmem>> -> memref<1x64x256xf32, #tpu.memory_space<vmem>>
    %dma_wait3A_203 = tpu.memref_squeeze %dma_wait3A_202 : memref<1x64x256xf32, #tpu.memory_space<vmem>> -> memref<64x256xf32, #tpu.memory_space<vmem>>
    tpu.wait_dma2 semaphore(%arg8 : memref<!tpu.dma_semaphore, #tpu.memory_space<semaphore_mem>>) src(%dma_wait3A_203 : memref<64x256xf32, #tpu.memory_space<vmem>>) dst(%dma_wait3A_199 : memref<64x256xf32, #tpu.memory_space<hbm>>)
    %dma_wait3A_204 = arith.constant 3 : i32
    %dma_wait3A_205 = arith.constant 0 : i32
    %dma_wait3A_206 = arith.constant 0 : i32
    %dma_wait3A_207 = tpu.memref_slice %arg6[%dma_wait3A_204, %dma_wait3A_205, %dma_wait3A_206] : memref<4x64x256xf32, #tpu.memory_space<vmem>> -> memref<1x64x256xf32, #tpu.memory_space<vmem>>
    %dma_wait3A_208 = tpu.memref_squeeze %dma_wait3A_207 : memref<1x64x256xf32, #tpu.memory_space<vmem>> -> memref<64x256xf32, #tpu.memory_space<vmem>>
    %dma_wait3A_209 = arith.constant 0 : i32
    %dma_wait3A_210 = tpu.memref_slice %arg4[%add3A_151, %dma_wait3A_209] : memref<8192x256xf32, #tpu.memory_space<hbm>> -> memref<64x256xf32, #tpu.memory_space<hbm>>
    %dma_wait3A_211 = arith.constant 0 : i32
    %dma_wait3A_212 = tpu.memref_slice %arg4[%add3A_151, %dma_wait3A_211] : memref<8192x256xf32, #tpu.memory_space<hbm>> -> memref<64x256xf32, #tpu.memory_space<hbm>>
    %dma_wait3A_213 = arith.constant 0 : i32
    %dma_wait3A_214 = arith.constant 0 : i32
    %dma_wait3A_215 = tpu.memref_slice %arg6[%dma_wait3A_204, %dma_wait3A_213, %dma_wait3A_214] : memref<4x64x256xf32, #tpu.memory_space<vmem>> -> memref<1x64x256xf32, #tpu.memory_space<vmem>>
    %dma_wait3A_216 = tpu.memref_squeeze %dma_wait3A_215 : memref<1x64x256xf32, #tpu.memory_space<vmem>> -> memref<64x256xf32, #tpu.memory_space<vmem>>
    tpu.wait_dma2 semaphore(%arg8 : memref<!tpu.dma_semaphore, #tpu.memory_space<semaphore_mem>>) src(%dma_wait3A_216 : memref<64x256xf32, #tpu.memory_space<vmem>>) dst(%dma_wait3A_212 : memref<64x256xf32, #tpu.memory_space<hbm>>)
    return
  }
}

#map = affine_map<(d0, d1) -> (0, 0)>
#map1 = affine_map<(d0, d1) -> (0)>
module attributes {stable_mosaic.version = 14 : i64} {
  func.func @gk(%arg0: i32, %arg1: i32, %arg2: memref<8192x256xf32, #tpu.memory_space<hbm>>, %arg3: memref<8192xi32, #tpu.memory_space<hbm>>, %arg4: memref<8192x256xf32, #tpu.memory_space<hbm>>, %arg5: memref<256xi32, #tpu.memory_space<vmem>>, %arg6: memref<4x64x256xf32, #tpu.memory_space<vmem>>, %arg7: memref<4x!tpu.dma_semaphore, #tpu.memory_space<semaphore_mem>>, %arg8: memref<!tpu.dma_semaphore, #tpu.memory_space<semaphore_mem>>) attributes {dimension_semantics = [#tpu.dimension_semantics<core_parallel>, #tpu.dimension_semantics<subcore_parallel>], iteration_bounds = array<i64: 2, 16>, scalar_prefetch = 0 : i64, scratch_operands = 4 : i64, tpu.core_type = #tpu.core_type<sc_vector_subcore>, window_params = [{transform_indices = #map}, {transform_indices = #map1}, {transform_indices = #map}]} {
    %mul3A = arith.constant 2 : i32
    %mul3A_0 = arith.muli %arg1, %mul3A : i32
    %add3A = arith.addi %mul3A_0, %arg0 : i32
    %mul3A_1 = arith.constant 256 : i32
    %mul3A_2 = arith.muli %add3A, %mul3A_1 : i32
    "tpu.region"() ({
      %run_scoped3A = tpu.sem_alloc : memref<!tpu.dma_semaphore, #tpu.memory_space<semaphore_mem>>
      %dma_start3A_217 = tpu.memref_slice %arg3[%mul3A_2] : memref<8192xi32, #tpu.memory_space<hbm>> -> memref<256xi32, #tpu.memory_space<hbm>>
      %dma_start3A_218 = tpu.memref_slice %arg3[%mul3A_2] : memref<8192xi32, #tpu.memory_space<hbm>> -> memref<256xi32, #tpu.memory_space<hbm>>
      tpu.enqueue_dma source(%dma_start3A_218 : memref<256xi32, #tpu.memory_space<hbm>>) target(%arg5 : memref<256xi32, #tpu.memory_space<vmem>>) target_semaphore(%run_scoped3A : memref<!tpu.dma_semaphore, #tpu.memory_space<semaphore_mem>>)
      %dma_wait3A_219 = tpu.memref_slice %arg3[%mul3A_2] : memref<8192xi32, #tpu.memory_space<hbm>> -> memref<256xi32, #tpu.memory_space<hbm>>
      %dma_wait3A_220 = tpu.memref_slice %arg3[%mul3A_2] : memref<8192xi32, #tpu.memory_space<hbm>> -> memref<256xi32, #tpu.memory_space<hbm>>
      tpu.wait_dma2 semaphore(%run_scoped3A : memref<!tpu.dma_semaphore, #tpu.memory_space<semaphore_mem>>) src(%dma_wait3A_220 : memref<256xi32, #tpu.memory_space<hbm>>) dst(%arg5 : memref<256xi32, #tpu.memory_space<vmem>>)
      tpu.yield
    }) : () -> ()
    %dma_start3A = arith.constant 0 : i32
    %dma_start3A_3 = arith.constant 0 : i32
    %dma_start3A_4 = arith.constant 0 : i32
    %dma_start3A_5 = arith.constant 0 : i32
    %dma_start3A_6 = tpu.memref_slice %arg6[%dma_start3A, %dma_start3A_4, %dma_start3A_5] : memref<4x64x256xf32, #tpu.memory_space<vmem>> -> memref<1x64x256xf32, #tpu.memory_space<vmem>>
    %dma_start3A_7 = tpu.memref_squeeze %dma_start3A_6 : memref<1x64x256xf32, #tpu.memory_space<vmem>> -> memref<64x256xf32, #tpu.memory_space<vmem>>
    %dma_start3A_8 = arith.constant 0 : i32
    %dma_start3A_9 = tpu.memref_slice %arg5[%dma_start3A_8] : memref<256xi32, #tpu.memory_space<vmem>> -> memref<64xi32, #tpu.memory_space<vmem>>
    %dma_start3A_10 = arith.constant 0 : i32
    %dma_start3A_11 = arith.constant 0 : i32
    %dma_start3A_12 = tpu.memref_slice %arg2[%dma_start3A_10, %dma_start3A_11] : memref<8192x256xf32, #tpu.memory_space<hbm>> -> memref<8192x256xf32, #tpu.memory_space<hbm>>
    %dma_start3A_13 = tpu.memref_slice %arg7[%dma_start3A_3] : memref<4x!tpu.dma_semaphore, #tpu.memory_space<semaphore_mem>> -> memref<1x!tpu.dma_semaphore, #tpu.memory_space<semaphore_mem>>
    %dma_start3A_14 = tpu.memref_squeeze %dma_start3A_13 : memref<1x!tpu.dma_semaphore, #tpu.memory_space<semaphore_mem>> -> memref<!tpu.dma_semaphore, #tpu.memory_space<semaphore_mem>>
    tpu.enqueue_indirect_dma source(%dma_start3A_12 : memref<8192x256xf32, #tpu.memory_space<hbm>>) target(%dma_start3A_7 : memref<64x256xf32, #tpu.memory_space<vmem>>) offsets(%dma_start3A_9 : memref<64xi32, #tpu.memory_space<vmem>>) semaphore(%dma_start3A_14 : memref<!tpu.dma_semaphore, #tpu.memory_space<semaphore_mem>>)
    %dma_start3A_15 = arith.constant 1 : i32
    %dma_start3A_16 = arith.constant 1 : i32
    %dma_start3A_17 = arith.constant 0 : i32
    %dma_start3A_18 = arith.constant 0 : i32
    %dma_start3A_19 = tpu.memref_slice %arg6[%dma_start3A_15, %dma_start3A_17, %dma_start3A_18] : memref<4x64x256xf32, #tpu.memory_space<vmem>> -> memref<1x64x256xf32, #tpu.memory_space<vmem>>
    %dma_start3A_20 = tpu.memref_squeeze %dma_start3A_19 : memref<1x64x256xf32, #tpu.memory_space<vmem>> -> memref<64x256xf32, #tpu.memory_space<vmem>>
    %dma_start3A_21 = arith.constant 64 : i32
    %dma_start3A_22 = tpu.memref_slice %arg5[%dma_start3A_21] : memref<256xi32, #tpu.memory_space<vmem>> -> memref<64xi32, #tpu.memory_space<vmem>>
    %dma_start3A_23 = arith.constant 0 : i32
    %dma_start3A_24 = arith.constant 0 : i32
    %dma_start3A_25 = tpu.memref_slice %arg2[%dma_start3A_23, %dma_start3A_24] : memref<8192x256xf32, #tpu.memory_space<hbm>> -> memref<8192x256xf32, #tpu.memory_space<hbm>>
    %dma_start3A_26 = tpu.memref_slice %arg7[%dma_start3A_16] : memref<4x!tpu.dma_semaphore, #tpu.memory_space<semaphore_mem>> -> memref<1x!tpu.dma_semaphore, #tpu.memory_space<semaphore_mem>>
    %dma_start3A_27 = tpu.memref_squeeze %dma_start3A_26 : memref<1x!tpu.dma_semaphore, #tpu.memory_space<semaphore_mem>> -> memref<!tpu.dma_semaphore, #tpu.memory_space<semaphore_mem>>
    tpu.enqueue_indirect_dma source(%dma_start3A_25 : memref<8192x256xf32, #tpu.memory_space<hbm>>) target(%dma_start3A_20 : memref<64x256xf32, #tpu.memory_space<vmem>>) offsets(%dma_start3A_22 : memref<64xi32, #tpu.memory_space<vmem>>) semaphore(%dma_start3A_27 : memref<!tpu.dma_semaphore, #tpu.memory_space<semaphore_mem>>)
    %dma_start3A_28 = arith.constant 2 : i32
    %dma_start3A_29 = arith.constant 2 : i32
    %dma_start3A_30 = arith.constant 0 : i32
    %dma_start3A_31 = arith.constant 0 : i32
    %dma_start3A_32 = tpu.memref_slice %arg6[%dma_start3A_28, %dma_start3A_30, %dma_start3A_31] : memref<4x64x256xf32, #tpu.memory_space<vmem>> -> memref<1x64x256xf32, #tpu.memory_space<vmem>>
    %dma_start3A_33 = tpu.memref_squeeze %dma_start3A_32 : memref<1x64x256xf32, #tpu.memory_space<vmem>> -> memref<64x256xf32, #tpu.memory_space<vmem>>
    %dma_start3A_34 = arith.constant 128 : i32
    %dma_start3A_35 = tpu.memref_slice %arg5[%dma_start3A_34] : memref<256xi32, #tpu.memory_space<vmem>> -> memref<64xi32, #tpu.memory_space<vmem>>
    %dma_start3A_36 = arith.constant 0 : i32
    %dma_start3A_37 = arith.constant 0 : i32
    %dma_start3A_38 = tpu.memref_slice %arg2[%dma_start3A_36, %dma_start3A_37] : memref<8192x256xf32, #tpu.memory_space<hbm>> -> memref<8192x256xf32, #tpu.memory_space<hbm>>
    %dma_start3A_39 = tpu.memref_slice %arg7[%dma_start3A_29] : memref<4x!tpu.dma_semaphore, #tpu.memory_space<semaphore_mem>> -> memref<1x!tpu.dma_semaphore, #tpu.memory_space<semaphore_mem>>
    %dma_start3A_40 = tpu.memref_squeeze %dma_start3A_39 : memref<1x!tpu.dma_semaphore, #tpu.memory_space<semaphore_mem>> -> memref<!tpu.dma_semaphore, #tpu.memory_space<semaphore_mem>>
    tpu.enqueue_indirect_dma source(%dma_start3A_38 : memref<8192x256xf32, #tpu.memory_space<hbm>>) target(%dma_start3A_33 : memref<64x256xf32, #tpu.memory_space<vmem>>) offsets(%dma_start3A_35 : memref<64xi32, #tpu.memory_space<vmem>>) semaphore(%dma_start3A_40 : memref<!tpu.dma_semaphore, #tpu.memory_space<semaphore_mem>>)
    %dma_start3A_41 = arith.constant 3 : i32
    %dma_start3A_42 = arith.constant 3 : i32
    %dma_start3A_43 = arith.constant 0 : i32
    %dma_start3A_44 = arith.constant 0 : i32
    %dma_start3A_45 = tpu.memref_slice %arg6[%dma_start3A_41, %dma_start3A_43, %dma_start3A_44] : memref<4x64x256xf32, #tpu.memory_space<vmem>> -> memref<1x64x256xf32, #tpu.memory_space<vmem>>
    %dma_start3A_46 = tpu.memref_squeeze %dma_start3A_45 : memref<1x64x256xf32, #tpu.memory_space<vmem>> -> memref<64x256xf32, #tpu.memory_space<vmem>>
    %dma_start3A_47 = arith.constant 192 : i32
    %dma_start3A_48 = tpu.memref_slice %arg5[%dma_start3A_47] : memref<256xi32, #tpu.memory_space<vmem>> -> memref<64xi32, #tpu.memory_space<vmem>>
    %dma_start3A_49 = arith.constant 0 : i32
    %dma_start3A_50 = arith.constant 0 : i32
    %dma_start3A_51 = tpu.memref_slice %arg2[%dma_start3A_49, %dma_start3A_50] : memref<8192x256xf32, #tpu.memory_space<hbm>> -> memref<8192x256xf32, #tpu.memory_space<hbm>>
    %dma_start3A_52 = tpu.memref_slice %arg7[%dma_start3A_42] : memref<4x!tpu.dma_semaphore, #tpu.memory_space<semaphore_mem>> -> memref<1x!tpu.dma_semaphore, #tpu.memory_space<semaphore_mem>>
    %dma_start3A_53 = tpu.memref_squeeze %dma_start3A_52 : memref<1x!tpu.dma_semaphore, #tpu.memory_space<semaphore_mem>> -> memref<!tpu.dma_semaphore, #tpu.memory_space<semaphore_mem>>
    tpu.enqueue_indirect_dma source(%dma_start3A_51 : memref<8192x256xf32, #tpu.memory_space<hbm>>) target(%dma_start3A_46 : memref<64x256xf32, #tpu.memory_space<vmem>>) offsets(%dma_start3A_48 : memref<64xi32, #tpu.memory_space<vmem>>) semaphore(%dma_start3A_53 : memref<!tpu.dma_semaphore, #tpu.memory_space<semaphore_mem>>)
    %dma_wait3A = arith.constant 0 : i32
    %dma_wait3A_54 = arith.constant 0 : i32
    %dma_wait3A_55 = arith.constant 0 : i32
    %dma_wait3A_56 = arith.constant 0 : i32
    %dma_wait3A_57 = tpu.memref_slice %arg6[%dma_wait3A, %dma_wait3A_55, %dma_wait3A_56] : memref<4x64x256xf32, #tpu.memory_space<vmem>> -> memref<1x64x256xf32, #tpu.memory_space<vmem>>
    %dma_wait3A_58 = tpu.memref_squeeze %dma_wait3A_57 : memref<1x64x256xf32, #tpu.memory_space<vmem>> -> memref<64x256xf32, #tpu.memory_space<vmem>>
    %dma_wait3A_59 = arith.constant 0 : i32
    %dma_wait3A_60 = tpu.memref_slice %arg5[%dma_wait3A_59] : memref<256xi32, #tpu.memory_space<vmem>> -> memref<64xi32, #tpu.memory_space<vmem>>
    %dma_wait3A_61 = arith.constant 0 : i32
    %dma_wait3A_62 = arith.constant 0 : i32
    %dma_wait3A_63 = tpu.memref_slice %arg2[%dma_wait3A_61, %dma_wait3A_62] : memref<8192x256xf32, #tpu.memory_space<hbm>> -> memref<8192x256xf32, #tpu.memory_space<hbm>>
    %dma_wait3A_64 = tpu.memref_slice %arg7[%dma_wait3A_54] : memref<4x!tpu.dma_semaphore, #tpu.memory_space<semaphore_mem>> -> memref<1x!tpu.dma_semaphore, #tpu.memory_space<semaphore_mem>>
    %dma_wait3A_65 = tpu.memref_squeeze %dma_wait3A_64 : memref<1x!tpu.dma_semaphore, #tpu.memory_space<semaphore_mem>> -> memref<!tpu.dma_semaphore, #tpu.memory_space<semaphore_mem>>
    tpu.wait_indirect_dma semaphore(%dma_wait3A_65 : memref<!tpu.dma_semaphore, #tpu.memory_space<semaphore_mem>>) src(%dma_wait3A_63 : memref<8192x256xf32, #tpu.memory_space<hbm>>) dst(%dma_wait3A_58 : memref<64x256xf32, #tpu.memory_space<vmem>>)
    %add3A_66 = arith.constant 0 : i32
    %add3A_67 = arith.addi %mul3A_2, %add3A_66 : i32
    %dma_start3A_68 = arith.constant 0 : i32
    %dma_start3A_69 = arith.constant 0 : i32
    %dma_start3A_70 = arith.constant 0 : i32
    %dma_start3A_71 = tpu.memref_slice %arg6[%dma_start3A_68, %dma_start3A_69, %dma_start3A_70] : memref<4x64x256xf32, #tpu.memory_space<vmem>> -> memref<1x64x256xf32, #tpu.memory_space<vmem>>
    %dma_start3A_72 = tpu.memref_squeeze %dma_start3A_71 : memref<1x64x256xf32, #tpu.memory_space<vmem>> -> memref<64x256xf32, #tpu.memory_space<vmem>>
    %dma_start3A_73 = arith.constant 0 : i32
    %dma_start3A_74 = tpu.memref_slice %arg4[%add3A_67, %dma_start3A_73] : memref<8192x256xf32, #tpu.memory_space<hbm>> -> memref<64x256xf32, #tpu.memory_space<hbm>>
    %dma_start3A_75 = arith.constant 0 : i32
    %dma_start3A_76 = tpu.memref_slice %arg4[%add3A_67, %dma_start3A_75] : memref<8192x256xf32, #tpu.memory_space<hbm>> -> memref<64x256xf32, #tpu.memory_space<hbm>>
    %dma_start3A_77 = arith.constant 0 : i32
    %dma_start3A_78 = arith.constant 0 : i32
    %dma_start3A_79 = tpu.memref_slice %arg6[%dma_start3A_68, %dma_start3A_77, %dma_start3A_78] : memref<4x64x256xf32, #tpu.memory_space<vmem>> -> memref<1x64x256xf32, #tpu.memory_space<vmem>>
    %dma_start3A_80 = tpu.memref_squeeze %dma_start3A_79 : memref<1x64x256xf32, #tpu.memory_space<vmem>> -> memref<64x256xf32, #tpu.memory_space<vmem>>
    tpu.enqueue_dma source(%dma_start3A_80 : memref<64x256xf32, #tpu.memory_space<vmem>>) target(%dma_start3A_76 : memref<64x256xf32, #tpu.memory_space<hbm>>) target_semaphore(%arg8 : memref<!tpu.dma_semaphore, #tpu.memory_space<semaphore_mem>>)
    %dma_wait3A_81 = arith.constant 1 : i32
    %dma_wait3A_82 = arith.constant 1 : i32
    %dma_wait3A_83 = arith.constant 0 : i32
    %dma_wait3A_84 = arith.constant 0 : i32
    %dma_wait3A_85 = tpu.memref_slice %arg6[%dma_wait3A_81, %dma_wait3A_83, %dma_wait3A_84] : memref<4x64x256xf32, #tpu.memory_space<vmem>> -> memref<1x64x256xf32, #tpu.memory_space<vmem>>
    %dma_wait3A_86 = tpu.memref_squeeze %dma_wait3A_85 : memref<1x64x256xf32, #tpu.memory_space<vmem>> -> memref<64x256xf32, #tpu.memory_space<vmem>>
    %dma_wait3A_87 = arith.constant 64 : i32
    %dma_wait3A_88 = tpu.memref_slice %arg5[%dma_wait3A_87] : memref<256xi32, #tpu.memory_space<vmem>> -> memref<64xi32, #tpu.memory_space<vmem>>
    %dma_wait3A_89 = arith.constant 0 : i32
    %dma_wait3A_90 = arith.constant 0 : i32
    %dma_wait3A_91 = tpu.memref_slice %arg2[%dma_wait3A_89, %dma_wait3A_90] : memref<8192x256xf32, #tpu.memory_space<hbm>> -> memref<8192x256xf32, #tpu.memory_space<hbm>>
    %dma_wait3A_92 = tpu.memref_slice %arg7[%dma_wait3A_82] : memref<4x!tpu.dma_semaphore, #tpu.memory_space<semaphore_mem>> -> memref<1x!tpu.dma_semaphore, #tpu.memory_space<semaphore_mem>>
    %dma_wait3A_93 = tpu.memref_squeeze %dma_wait3A_92 : memref<1x!tpu.dma_semaphore, #tpu.memory_space<semaphore_mem>> -> memref<!tpu.dma_semaphore, #tpu.memory_space<semaphore_mem>>
    tpu.wait_indirect_dma semaphore(%dma_wait3A_93 : memref<!tpu.dma_semaphore, #tpu.memory_space<semaphore_mem>>) src(%dma_wait3A_91 : memref<8192x256xf32, #tpu.memory_space<hbm>>) dst(%dma_wait3A_86 : memref<64x256xf32, #tpu.memory_space<vmem>>)
    %add3A_94 = arith.constant 64 : i32
    %add3A_95 = arith.addi %mul3A_2, %add3A_94 : i32
    %dma_start3A_96 = arith.constant 1 : i32
    %dma_start3A_97 = arith.constant 0 : i32
    %dma_start3A_98 = arith.constant 0 : i32
    %dma_start3A_99 = tpu.memref_slice %arg6[%dma_start3A_96, %dma_start3A_97, %dma_start3A_98] : memref<4x64x256xf32, #tpu.memory_space<vmem>> -> memref<1x64x256xf32, #tpu.memory_space<vmem>>
    %dma_start3A_100 = tpu.memref_squeeze %dma_start3A_99 : memref<1x64x256xf32, #tpu.memory_space<vmem>> -> memref<64x256xf32, #tpu.memory_space<vmem>>
    %dma_start3A_101 = arith.constant 0 : i32
    %dma_start3A_102 = tpu.memref_slice %arg4[%add3A_95, %dma_start3A_101] : memref<8192x256xf32, #tpu.memory_space<hbm>> -> memref<64x256xf32, #tpu.memory_space<hbm>>
    %dma_start3A_103 = arith.constant 0 : i32
    %dma_start3A_104 = tpu.memref_slice %arg4[%add3A_95, %dma_start3A_103] : memref<8192x256xf32, #tpu.memory_space<hbm>> -> memref<64x256xf32, #tpu.memory_space<hbm>>
    %dma_start3A_105 = arith.constant 0 : i32
    %dma_start3A_106 = arith.constant 0 : i32
    %dma_start3A_107 = tpu.memref_slice %arg6[%dma_start3A_96, %dma_start3A_105, %dma_start3A_106] : memref<4x64x256xf32, #tpu.memory_space<vmem>> -> memref<1x64x256xf32, #tpu.memory_space<vmem>>
    %dma_start3A_108 = tpu.memref_squeeze %dma_start3A_107 : memref<1x64x256xf32, #tpu.memory_space<vmem>> -> memref<64x256xf32, #tpu.memory_space<vmem>>
    tpu.enqueue_dma source(%dma_start3A_108 : memref<64x256xf32, #tpu.memory_space<vmem>>) target(%dma_start3A_104 : memref<64x256xf32, #tpu.memory_space<hbm>>) target_semaphore(%arg8 : memref<!tpu.dma_semaphore, #tpu.memory_space<semaphore_mem>>)
    %dma_wait3A_109 = arith.constant 2 : i32
    %dma_wait3A_110 = arith.constant 2 : i32
    %dma_wait3A_111 = arith.constant 0 : i32
    %dma_wait3A_112 = arith.constant 0 : i32
    %dma_wait3A_113 = tpu.memref_slice %arg6[%dma_wait3A_109, %dma_wait3A_111, %dma_wait3A_112] : memref<4x64x256xf32, #tpu.memory_space<vmem>> -> memref<1x64x256xf32, #tpu.memory_space<vmem>>
    %dma_wait3A_114 = tpu.memref_squeeze %dma_wait3A_113 : memref<1x64x256xf32, #tpu.memory_space<vmem>> -> memref<64x256xf32, #tpu.memory_space<vmem>>
    %dma_wait3A_115 = arith.constant 128 : i32
    %dma_wait3A_116 = tpu.memref_slice %arg5[%dma_wait3A_115] : memref<256xi32, #tpu.memory_space<vmem>> -> memref<64xi32, #tpu.memory_space<vmem>>
    %dma_wait3A_117 = arith.constant 0 : i32
    %dma_wait3A_118 = arith.constant 0 : i32
    %dma_wait3A_119 = tpu.memref_slice %arg2[%dma_wait3A_117, %dma_wait3A_118] : memref<8192x256xf32, #tpu.memory_space<hbm>> -> memref<8192x256xf32, #tpu.memory_space<hbm>>
    %dma_wait3A_120 = tpu.memref_slice %arg7[%dma_wait3A_110] : memref<4x!tpu.dma_semaphore, #tpu.memory_space<semaphore_mem>> -> memref<1x!tpu.dma_semaphore, #tpu.memory_space<semaphore_mem>>
    %dma_wait3A_121 = tpu.memref_squeeze %dma_wait3A_120 : memref<1x!tpu.dma_semaphore, #tpu.memory_space<semaphore_mem>> -> memref<!tpu.dma_semaphore, #tpu.memory_space<semaphore_mem>>
    tpu.wait_indirect_dma semaphore(%dma_wait3A_121 : memref<!tpu.dma_semaphore, #tpu.memory_space<semaphore_mem>>) src(%dma_wait3A_119 : memref<8192x256xf32, #tpu.memory_space<hbm>>) dst(%dma_wait3A_114 : memref<64x256xf32, #tpu.memory_space<vmem>>)
    %add3A_122 = arith.constant 128 : i32
    %add3A_123 = arith.addi %mul3A_2, %add3A_122 : i32
    %dma_start3A_124 = arith.constant 2 : i32
    %dma_start3A_125 = arith.constant 0 : i32
    %dma_start3A_126 = arith.constant 0 : i32
    %dma_start3A_127 = tpu.memref_slice %arg6[%dma_start3A_124, %dma_start3A_125, %dma_start3A_126] : memref<4x64x256xf32, #tpu.memory_space<vmem>> -> memref<1x64x256xf32, #tpu.memory_space<vmem>>
    %dma_start3A_128 = tpu.memref_squeeze %dma_start3A_127 : memref<1x64x256xf32, #tpu.memory_space<vmem>> -> memref<64x256xf32, #tpu.memory_space<vmem>>
    %dma_start3A_129 = arith.constant 0 : i32
    %dma_start3A_130 = tpu.memref_slice %arg4[%add3A_123, %dma_start3A_129] : memref<8192x256xf32, #tpu.memory_space<hbm>> -> memref<64x256xf32, #tpu.memory_space<hbm>>
    %dma_start3A_131 = arith.constant 0 : i32
    %dma_start3A_132 = tpu.memref_slice %arg4[%add3A_123, %dma_start3A_131] : memref<8192x256xf32, #tpu.memory_space<hbm>> -> memref<64x256xf32, #tpu.memory_space<hbm>>
    %dma_start3A_133 = arith.constant 0 : i32
    %dma_start3A_134 = arith.constant 0 : i32
    %dma_start3A_135 = tpu.memref_slice %arg6[%dma_start3A_124, %dma_start3A_133, %dma_start3A_134] : memref<4x64x256xf32, #tpu.memory_space<vmem>> -> memref<1x64x256xf32, #tpu.memory_space<vmem>>
    %dma_start3A_136 = tpu.memref_squeeze %dma_start3A_135 : memref<1x64x256xf32, #tpu.memory_space<vmem>> -> memref<64x256xf32, #tpu.memory_space<vmem>>
    tpu.enqueue_dma source(%dma_start3A_136 : memref<64x256xf32, #tpu.memory_space<vmem>>) target(%dma_start3A_132 : memref<64x256xf32, #tpu.memory_space<hbm>>) target_semaphore(%arg8 : memref<!tpu.dma_semaphore, #tpu.memory_space<semaphore_mem>>)
    %dma_wait3A_137 = arith.constant 3 : i32
    %dma_wait3A_138 = arith.constant 3 : i32
    %dma_wait3A_139 = arith.constant 0 : i32
    %dma_wait3A_140 = arith.constant 0 : i32
    %dma_wait3A_141 = tpu.memref_slice %arg6[%dma_wait3A_137, %dma_wait3A_139, %dma_wait3A_140] : memref<4x64x256xf32, #tpu.memory_space<vmem>> -> memref<1x64x256xf32, #tpu.memory_space<vmem>>
    %dma_wait3A_142 = tpu.memref_squeeze %dma_wait3A_141 : memref<1x64x256xf32, #tpu.memory_space<vmem>> -> memref<64x256xf32, #tpu.memory_space<vmem>>
    %dma_wait3A_143 = arith.constant 192 : i32
    %dma_wait3A_144 = tpu.memref_slice %arg5[%dma_wait3A_143] : memref<256xi32, #tpu.memory_space<vmem>> -> memref<64xi32, #tpu.memory_space<vmem>>
    %dma_wait3A_145 = arith.constant 0 : i32
    %dma_wait3A_146 = arith.constant 0 : i32
    %dma_wait3A_147 = tpu.memref_slice %arg2[%dma_wait3A_145, %dma_wait3A_146] : memref<8192x256xf32, #tpu.memory_space<hbm>> -> memref<8192x256xf32, #tpu.memory_space<hbm>>
    %dma_wait3A_148 = tpu.memref_slice %arg7[%dma_wait3A_138] : memref<4x!tpu.dma_semaphore, #tpu.memory_space<semaphore_mem>> -> memref<1x!tpu.dma_semaphore, #tpu.memory_space<semaphore_mem>>
    %dma_wait3A_149 = tpu.memref_squeeze %dma_wait3A_148 : memref<1x!tpu.dma_semaphore, #tpu.memory_space<semaphore_mem>> -> memref<!tpu.dma_semaphore, #tpu.memory_space<semaphore_mem>>
    tpu.wait_indirect_dma semaphore(%dma_wait3A_149 : memref<!tpu.dma_semaphore, #tpu.memory_space<semaphore_mem>>) src(%dma_wait3A_147 : memref<8192x256xf32, #tpu.memory_space<hbm>>) dst(%dma_wait3A_142 : memref<64x256xf32, #tpu.memory_space<vmem>>)
    %add3A_150 = arith.constant 192 : i32
    %add3A_151 = arith.addi %mul3A_2, %add3A_150 : i32
    %dma_start3A_152 = arith.constant 3 : i32
    %dma_start3A_153 = arith.constant 0 : i32
    %dma_start3A_154 = arith.constant 0 : i32
    %dma_start3A_155 = tpu.memref_slice %arg6[%dma_start3A_152, %dma_start3A_153, %dma_start3A_154] : memref<4x64x256xf32, #tpu.memory_space<vmem>> -> memref<1x64x256xf32, #tpu.memory_space<vmem>>
    %dma_start3A_156 = tpu.memref_squeeze %dma_start3A_155 : memref<1x64x256xf32, #tpu.memory_space<vmem>> -> memref<64x256xf32, #tpu.memory_space<vmem>>
    %dma_start3A_157 = arith.constant 0 : i32
    %dma_start3A_158 = tpu.memref_slice %arg4[%add3A_151, %dma_start3A_157] : memref<8192x256xf32, #tpu.memory_space<hbm>> -> memref<64x256xf32, #tpu.memory_space<hbm>>
    %dma_start3A_159 = arith.constant 0 : i32
    %dma_start3A_160 = tpu.memref_slice %arg4[%add3A_151, %dma_start3A_159] : memref<8192x256xf32, #tpu.memory_space<hbm>> -> memref<64x256xf32, #tpu.memory_space<hbm>>
    %dma_start3A_161 = arith.constant 0 : i32
    %dma_start3A_162 = arith.constant 0 : i32
    %dma_start3A_163 = tpu.memref_slice %arg6[%dma_start3A_152, %dma_start3A_161, %dma_start3A_162] : memref<4x64x256xf32, #tpu.memory_space<vmem>> -> memref<1x64x256xf32, #tpu.memory_space<vmem>>
    %dma_start3A_164 = tpu.memref_squeeze %dma_start3A_163 : memref<1x64x256xf32, #tpu.memory_space<vmem>> -> memref<64x256xf32, #tpu.memory_space<vmem>>
    tpu.enqueue_dma source(%dma_start3A_164 : memref<64x256xf32, #tpu.memory_space<vmem>>) target(%dma_start3A_160 : memref<64x256xf32, #tpu.memory_space<hbm>>) target_semaphore(%arg8 : memref<!tpu.dma_semaphore, #tpu.memory_space<semaphore_mem>>)
    %dma_wait3A_165 = arith.constant 0 : i32
    %dma_wait3A_166 = arith.constant 0 : i32
    %dma_wait3A_167 = arith.constant 0 : i32
    %dma_wait3A_168 = tpu.memref_slice %arg6[%dma_wait3A_165, %dma_wait3A_166, %dma_wait3A_167] : memref<4x64x256xf32, #tpu.memory_space<vmem>> -> memref<1x64x256xf32, #tpu.memory_space<vmem>>
    %dma_wait3A_169 = tpu.memref_squeeze %dma_wait3A_168 : memref<1x64x256xf32, #tpu.memory_space<vmem>> -> memref<64x256xf32, #tpu.memory_space<vmem>>
    %dma_wait3A_170 = arith.constant 0 : i32
    %dma_wait3A_171 = tpu.memref_slice %arg4[%add3A_67, %dma_wait3A_170] : memref<8192x256xf32, #tpu.memory_space<hbm>> -> memref<64x256xf32, #tpu.memory_space<hbm>>
    %dma_wait3A_172 = arith.constant 0 : i32
    %dma_wait3A_173 = tpu.memref_slice %arg4[%add3A_67, %dma_wait3A_172] : memref<8192x256xf32, #tpu.memory_space<hbm>> -> memref<64x256xf32, #tpu.memory_space<hbm>>
    %dma_wait3A_174 = arith.constant 0 : i32
    %dma_wait3A_175 = arith.constant 0 : i32
    %dma_wait3A_176 = tpu.memref_slice %arg6[%dma_wait3A_165, %dma_wait3A_174, %dma_wait3A_175] : memref<4x64x256xf32, #tpu.memory_space<vmem>> -> memref<1x64x256xf32, #tpu.memory_space<vmem>>
    %dma_wait3A_177 = tpu.memref_squeeze %dma_wait3A_176 : memref<1x64x256xf32, #tpu.memory_space<vmem>> -> memref<64x256xf32, #tpu.memory_space<vmem>>
    tpu.wait_dma2 semaphore(%arg8 : memref<!tpu.dma_semaphore, #tpu.memory_space<semaphore_mem>>) src(%dma_wait3A_177 : memref<64x256xf32, #tpu.memory_space<vmem>>) dst(%dma_wait3A_173 : memref<64x256xf32, #tpu.memory_space<hbm>>)
    %dma_wait3A_178 = arith.constant 1 : i32
    %dma_wait3A_179 = arith.constant 0 : i32
    %dma_wait3A_180 = arith.constant 0 : i32
    %dma_wait3A_181 = tpu.memref_slice %arg6[%dma_wait3A_178, %dma_wait3A_179, %dma_wait3A_180] : memref<4x64x256xf32, #tpu.memory_space<vmem>> -> memref<1x64x256xf32, #tpu.memory_space<vmem>>
    %dma_wait3A_182 = tpu.memref_squeeze %dma_wait3A_181 : memref<1x64x256xf32, #tpu.memory_space<vmem>> -> memref<64x256xf32, #tpu.memory_space<vmem>>
    %dma_wait3A_183 = arith.constant 0 : i32
    %dma_wait3A_184 = tpu.memref_slice %arg4[%add3A_95, %dma_wait3A_183] : memref<8192x256xf32, #tpu.memory_space<hbm>> -> memref<64x256xf32, #tpu.memory_space<hbm>>
    %dma_wait3A_185 = arith.constant 0 : i32
    %dma_wait3A_186 = tpu.memref_slice %arg4[%add3A_95, %dma_wait3A_185] : memref<8192x256xf32, #tpu.memory_space<hbm>> -> memref<64x256xf32, #tpu.memory_space<hbm>>
    %dma_wait3A_187 = arith.constant 0 : i32
    %dma_wait3A_188 = arith.constant 0 : i32
    %dma_wait3A_189 = tpu.memref_slice %arg6[%dma_wait3A_178, %dma_wait3A_187, %dma_wait3A_188] : memref<4x64x256xf32, #tpu.memory_space<vmem>> -> memref<1x64x256xf32, #tpu.memory_space<vmem>>
    %dma_wait3A_190 = tpu.memref_squeeze %dma_wait3A_189 : memref<1x64x256xf32, #tpu.memory_space<vmem>> -> memref<64x256xf32, #tpu.memory_space<vmem>>
    tpu.wait_dma2 semaphore(%arg8 : memref<!tpu.dma_semaphore, #tpu.memory_space<semaphore_mem>>) src(%dma_wait3A_190 : memref<64x256xf32, #tpu.memory_space<vmem>>) dst(%dma_wait3A_186 : memref<64x256xf32, #tpu.memory_space<hbm>>)
    %dma_wait3A_191 = arith.constant 2 : i32
    %dma_wait3A_192 = arith.constant 0 : i32
    %dma_wait3A_193 = arith.constant 0 : i32
    %dma_wait3A_194 = tpu.memref_slice %arg6[%dma_wait3A_191, %dma_wait3A_192, %dma_wait3A_193] : memref<4x64x256xf32, #tpu.memory_space<vmem>> -> memref<1x64x256xf32, #tpu.memory_space<vmem>>
    %dma_wait3A_195 = tpu.memref_squeeze %dma_wait3A_194 : memref<1x64x256xf32, #tpu.memory_space<vmem>> -> memref<64x256xf32, #tpu.memory_space<vmem>>
    %dma_wait3A_196 = arith.constant 0 : i32
    %dma_wait3A_197 = tpu.memref_slice %arg4[%add3A_123, %dma_wait3A_196] : memref<8192x256xf32, #tpu.memory_space<hbm>> -> memref<64x256xf32, #tpu.memory_space<hbm>>
    %dma_wait3A_198 = arith.constant 0 : i32
    %dma_wait3A_199 = tpu.memref_slice %arg4[%add3A_123, %dma_wait3A_198] : memref<8192x256xf32, #tpu.memory_space<hbm>> -> memref<64x256xf32, #tpu.memory_space<hbm>>
    %dma_wait3A_200 = arith.constant 0 : i32
    %dma_wait3A_201 = arith.constant 0 : i32
    %dma_wait3A_202 = tpu.memref_slice %arg6[%dma_wait3A_191, %dma_wait3A_200, %dma_wait3A_201] : memref<4x64x256xf32, #tpu.memory_space<vmem>> -> memref<1x64x256xf32, #tpu.memory_space<vmem>>
    %dma_wait3A_203 = tpu.memref_squeeze %dma_wait3A_202 : memref<1x64x256xf32, #tpu.memory_space<vmem>> -> memref<64x256xf32, #tpu.memory_space<vmem>>
    tpu.wait_dma2 semaphore(%arg8 : memref<!tpu.dma_semaphore, #tpu.memory_space<semaphore_mem>>) src(%dma_wait3A_203 : memref<64x256xf32, #tpu.memory_space<vmem>>) dst(%dma_wait3A_199 : memref<64x256xf32, #tpu.memory_space<hbm>>)
    %dma_wait3A_204 = arith.constant 3 : i32
    %dma_wait3A_205 = arith.constant 0 : i32
    %dma_wait3A_206 = arith.constant 0 : i32
    %dma_wait3A_207 = tpu.memref_slice %arg6[%dma_wait3A_204, %dma_wait3A_205, %dma_wait3A_206] : memref<4x64x256xf32, #tpu.memory_space<vmem>> -> memref<1x64x256xf32, #tpu.memory_space<vmem>>
    %dma_wait3A_208 = tpu.memref_squeeze %dma_wait3A_207 : memref<1x64x256xf32, #tpu.memory_space<vmem>> -> memref<64x256xf32, #tpu.memory_space<vmem>>
    %dma_wait3A_209 = arith.constant 0 : i32
    %dma_wait3A_210 = tpu.memref_slice %arg4[%add3A_151, %dma_wait3A_209] : memref<8192x256xf32, #tpu.memory_space<hbm>> -> memref<64x256xf32, #tpu.memory_space<hbm>>
    %dma_wait3A_211 = arith.constant 0 : i32
    %dma_wait3A_212 = tpu.memref_slice %arg4[%add3A_151, %dma_wait3A_211] : memref<8192x256xf32, #tpu.memory_space<hbm>> -> memref<64x256xf32, #tpu.memory_space<hbm>>
    %dma_wait3A_213 = arith.constant 0 : i32
    %dma_wait3A_214 = arith.constant 0 : i32
    %dma_wait3A_215 = tpu.memref_slice %arg6[%dma_wait3A_204, %dma_wait3A_213, %dma_wait3A_214] : memref<4x64x256xf32, #tpu.memory_space<vmem>> -> memref<1x64x256xf32, #tpu.memory_space<vmem>>
    %dma_wait3A_216 = tpu.memref_squeeze %dma_wait3A_215 : memref<1x64x256xf32, #tpu.memory_space<vmem>> -> memref<64x256xf32, #tpu.memory_space<vmem>>
    tpu.wait_dma2 semaphore(%arg8 : memref<!tpu.dma_semaphore, #tpu.memory_space<semaphore_mem>>) src(%dma_wait3A_216 : memref<64x256xf32, #tpu.memory_space<vmem>>) dst(%dma_wait3A_212 : memref<64x256xf32, #tpu.memory_space<hbm>>)
    return
  }
}

module attributes {stable_mosaic.version = 14 : i64} {
  func.func @_enc_vq_body(%arg0: i32, %arg1: memref<2048x6xf32, #tpu.memory_space<vmem>>, %arg2: memref<256x6xf32, #tpu.memory_space<vmem>>, %arg3: memref<1x256xf32, #tpu.memory_space<vmem>>, %arg4: memref<256x256xf32, #tpu.memory_space<vmem>>, %arg5: memref<1x256xf32, #tpu.memory_space<vmem>>, %arg6: memref<256x256xf32, #tpu.memory_space<vmem>>, %arg7: memref<1x256xf32, #tpu.memory_space<vmem>>, %arg8: memref<8192x256xbf16, #tpu.memory_space<vmem>>, %arg9: memref<1x2048x1xi32, #tpu.memory_space<vmem>>, %arg10: memref<1x1xf32, #tpu.memory_space<vmem>>) attributes {dimension_semantics = [#tpu.dimension_semantics<arbitrary>], iteration_bounds = array<i64: 4>, scalar_prefetch = 0 : i64, scratch_operands = 0 : i64, tpu.core_type = #tpu.core_type<tc>, window_params = [{transform_indices = @transform_0, window_bounds = array<i64: 2048, 6>}, {pipeline_mode = #tpu.pipeline_mode<synchronous>, transform_indices = @transform_1, window_bounds = array<i64: 256, 6>}, {pipeline_mode = #tpu.pipeline_mode<synchronous>, transform_indices = @transform_2, window_bounds = array<i64: 1, 256>}, {pipeline_mode = #tpu.pipeline_mode<synchronous>, transform_indices = @transform_3, window_bounds = array<i64: 256, 256>}, {pipeline_mode = #tpu.pipeline_mode<synchronous>, transform_indices = @transform_4, window_bounds = array<i64: 1, 256>}, {pipeline_mode = #tpu.pipeline_mode<synchronous>, transform_indices = @transform_5, window_bounds = array<i64: 256, 256>}, {pipeline_mode = #tpu.pipeline_mode<synchronous>, transform_indices = @transform_6, window_bounds = array<i64: 1, 256>}, {pipeline_mode = #tpu.pipeline_mode<synchronous>, transform_indices = @transform_7, window_bounds = array<i64: 8192, 256>}, {transform_indices = @transform_8, window_bounds = array<i64: 1, 2048, 1>}, {pipeline_mode = #tpu.pipeline_mode<synchronous>, transform_indices = @transform_9, window_bounds = array<i64: 1, 1>}]} {
    %get3A = arith.constant 0 : index
    %get3A_0 = arith.constant 0 : index
    %get3A_1 = vector.load %arg1[%get3A, %get3A_0] : memref<2048x6xf32, #tpu.memory_space<vmem>>, vector<2048x6xf32>
    %get3A_2 = arith.constant 0 : index
    %get3A_3 = arith.constant 0 : index
    %get3A_4 = vector.load %arg2[%get3A_2, %get3A_3] : memref<256x6xf32, #tpu.memory_space<vmem>>, vector<256x6xf32>
    %dot_general3A = arith.constant dense<0.000000e+00> : vector<2048x256xf32>
    %dot_general3A_5 = tpu.matmul %get3A_1, %get3A_4, %dot_general3A {dimension_numbers = #tpu.dot_dimension_numbers<[1], [1], [0], [0], [0, 0, 1, 0], [], []>, transpose_lhs_hint = false} : vector<2048x6xf32>, vector<256x6xf32>, vector<2048x256xf32> -> vector<2048x256xf32>
    %get3A_6 = arith.constant 0 : index
    %get3A_7 = arith.constant 0 : index
    %get3A_8 = vector.load %arg3[%get3A_6, %get3A_7] : memref<1x256xf32, #tpu.memory_space<vmem>>, vector<1x256xf32>
    %add3A = vector.broadcast %get3A_8 : vector<1x256xf32> to vector<2048x256xf32>
    %add3A_9 = arith.addf %dot_general3A_5, %add3A : vector<2048x256xf32>
    %max3A = arith.constant 0.000000e+00 : f32
    %max3A_10 = vector.broadcast %max3A : f32 to vector<2048x256xf32>
    %max3A_11 = arith.maximumf %add3A_9, %max3A_10 : vector<2048x256xf32>
    %get3A_12 = arith.constant 0 : index
    %get3A_13 = arith.constant 0 : index
    %get3A_14 = vector.load %arg4[%get3A_12, %get3A_13] : memref<256x256xf32, #tpu.memory_space<vmem>>, vector<256x256xf32>
    %dot_general3A_15 = arith.constant dense<0.000000e+00> : vector<2048x256xf32>
    %dot_general3A_16 = tpu.matmul %max3A_11, %get3A_14, %dot_general3A_15 {dimension_numbers = #tpu.dot_dimension_numbers<[1], [1], [0], [0], [0, 0, 1, 0], [], []>, transpose_lhs_hint = false} : vector<2048x256xf32>, vector<256x256xf32>, vector<2048x256xf32> -> vector<2048x256xf32>
    %get3A_17 = arith.constant 0 : index
    %get3A_18 = arith.constant 0 : index
    %get3A_19 = vector.load %arg5[%get3A_17, %get3A_18] : memref<1x256xf32, #tpu.memory_space<vmem>>, vector<1x256xf32>
    %add3A_20 = vector.broadcast %get3A_19 : vector<1x256xf32> to vector<2048x256xf32>
    %add3A_21 = arith.addf %dot_general3A_16, %add3A_20 : vector<2048x256xf32>
    %max3A_22 = arith.constant 0.000000e+00 : f32
    %max3A_23 = vector.broadcast %max3A_22 : f32 to vector<2048x256xf32>
    %max3A_24 = arith.maximumf %add3A_21, %max3A_23 : vector<2048x256xf32>
    %get3A_25 = arith.constant 0 : index
    %get3A_26 = arith.constant 0 : index
    %get3A_27 = vector.load %arg6[%get3A_25, %get3A_26] : memref<256x256xf32, #tpu.memory_space<vmem>>, vector<256x256xf32>
    %dot_general3A_28 = arith.constant dense<0.000000e+00> : vector<2048x256xf32>
    %dot_general3A_29 = tpu.matmul %max3A_24, %get3A_27, %dot_general3A_28 {dimension_numbers = #tpu.dot_dimension_numbers<[1], [1], [0], [0], [0, 0, 1, 0], [], []>, transpose_lhs_hint = false} : vector<2048x256xf32>, vector<256x256xf32>, vector<2048x256xf32> -> vector<2048x256xf32>
    %get3A_30 = arith.constant 0 : index
    %get3A_31 = arith.constant 0 : index
    %get3A_32 = vector.load %arg7[%get3A_30, %get3A_31] : memref<1x256xf32, #tpu.memory_space<vmem>>, vector<1x256xf32>
    %add3A_33 = vector.broadcast %get3A_32 : vector<1x256xf32> to vector<2048x256xf32>
    %add3A_34 = arith.addf %dot_general3A_29, %add3A_33 : vector<2048x256xf32>
    %mul3A = arith.constant -2.000000e+00 : f32
    %mul3A_35 = vector.broadcast %mul3A : f32 to vector<2048x256xf32>
    %mul3A_36 = arith.mulf %add3A_34, %mul3A_35 : vector<2048x256xf32>
    %convert_element_type3A = arith.truncf %mul3A_36 : vector<2048x256xf32> to vector<2048x256xbf16>
    %broadcast_in_dim3A = arith.constant 1.000000e+00 : f32
    %broadcast_in_dim3A_37 = vector.broadcast %broadcast_in_dim3A : f32 to vector<1x256xf32>
    %iota3A = tpu.iota {dimensions = array<i32: 1>} : vector<2048x1024xi32>
    %broadcast_in_dim3A_38 = arith.constant 0x7F800000 : f32
    %broadcast_in_dim3A_39 = vector.broadcast %broadcast_in_dim3A_38 : f32 to vector<2048x1xf32>
    %broadcast_in_dim3A_40 = arith.constant 0 : i32
    %broadcast_in_dim3A_41 = vector.broadcast %broadcast_in_dim3A_40 : i32 to vector<2048x1xi32>
    %get3A_42 = arith.constant 0 : index
    %get3A_43 = arith.constant 0 : index
    %get3A_44 = vector.load %arg8[%get3A_42, %get3A_43] : memref<8192x256xbf16, #tpu.memory_space<vmem>>, vector<1024x256xbf16>
    %convert_element_type3A_45 = arith.extf %get3A_44 : vector<1024x256xbf16> to vector<1024x256xf32>
    %mul3A_46 = arith.mulf %convert_element_type3A_45, %convert_element_type3A_45 : vector<1024x256xf32>
    %dot_general3A_47 = arith.constant dense<0.000000e+00> : vector<1x1024xf32>
    %dot_general3A_48 = tpu.matmul %broadcast_in_dim3A_37, %mul3A_46, %dot_general3A_47 {dimension_numbers = #tpu.dot_dimension_numbers<[1], [1], [0], [0], [0, 0, 1, 0], [], []>, transpose_lhs_hint = false} : vector<1x256xf32>, vector<1024x256xf32>, vector<1x1024xf32> -> vector<1x1024xf32>
    %dot_general3A_49 = arith.constant dense<0.000000e+00> : vector<2048x1024xf32>
    %dot_general3A_50 = tpu.matmul %convert_element_type3A, %get3A_44, %dot_general3A_49 {dimension_numbers = #tpu.dot_dimension_numbers<[1], [1], [0], [0], [0, 0, 1, 0], [], []>, transpose_lhs_hint = false} : vector<2048x256xbf16>, vector<1024x256xbf16>, vector<2048x1024xf32> -> vector<2048x1024xf32>
    %add3A_51 = vector.broadcast %dot_general3A_48 : vector<1x1024xf32> to vector<2048x1024xf32>
    %add3A_52 = arith.addf %dot_general3A_50, %add3A_51 : vector<2048x1024xf32>
    %bitcast_convert_type3A = tpu.bitcast %add3A_52 : vector<2048x1024xf32> -> vector<2048x1024xi32>
    %and3A = arith.constant -1024 : i32
    %and3A_53 = vector.broadcast %and3A : i32 to vector<2048x1024xi32>
    %and3A_54 = arith.andi %bitcast_convert_type3A, %and3A_53 : vector<2048x1024xi32>
    %or3A = arith.ori %and3A_54, %iota3A : vector<2048x1024xi32>
    %bitcast_convert_type3A_55 = tpu.bitcast %or3A : vector<2048x1024xi32> -> vector<2048x1024xf32>
    %reduce_min3A = arith.constant dense<0x7F800000> : vector<2048xf32>
    %reduce_min3A_56 = vector.multi_reduction <minimumf>, %bitcast_convert_type3A_55, %reduce_min3A [1] : vector<2048x1024xf32> to vector<2048xf32>
    %broadcast_in_dim3A_57 = vector.shape_cast %reduce_min3A_56 : vector<2048xf32> to vector<2048x1xf32>
    %lt3A = arith.cmpf olt, %broadcast_in_dim3A_57, %broadcast_in_dim3A_39 : vector<2048x1xf32>
    %select_n3A = arith.select %lt3A, %broadcast_in_dim3A_57, %broadcast_in_dim3A_39 : vector<2048x1xi1>, vector<2048x1xf32>
    %jit3A = arith.constant 0 : i32
    %broadcast_in_dim3A_58 = vector.broadcast %jit3A : i32 to vector<2048x1xi32>
    %select_n3A_59 = arith.select %lt3A, %broadcast_in_dim3A_58, %broadcast_in_dim3A_41 : vector<2048x1xi1>, vector<2048x1xi32>
    %get3A_60 = arith.constant 1024 : index
    %get3A_61 = arith.constant 0 : index
    %get3A_62 = vector.load %arg8[%get3A_60, %get3A_61] : memref<8192x256xbf16, #tpu.memory_space<vmem>>, vector<1024x256xbf16>
    %convert_element_type3A_63 = arith.extf %get3A_62 : vector<1024x256xbf16> to vector<1024x256xf32>
    %mul3A_64 = arith.mulf %convert_element_type3A_63, %convert_element_type3A_63 : vector<1024x256xf32>
    %dot_general3A_65 = arith.constant dense<0.000000e+00> : vector<1x1024xf32>
    %dot_general3A_66 = tpu.matmul %broadcast_in_dim3A_37, %mul3A_64, %dot_general3A_65 {dimension_numbers = #tpu.dot_dimension_numbers<[1], [1], [0], [0], [0, 0, 1, 0], [], []>, transpose_lhs_hint = false} : vector<1x256xf32>, vector<1024x256xf32>, vector<1x1024xf32> -> vector<1x1024xf32>
    %dot_general3A_67 = arith.constant dense<0.000000e+00> : vector<2048x1024xf32>
    %dot_general3A_68 = tpu.matmul %convert_element_type3A, %get3A_62, %dot_general3A_67 {dimension_numbers = #tpu.dot_dimension_numbers<[1], [1], [0], [0], [0, 0, 1, 0], [], []>, transpose_lhs_hint = false} : vector<2048x256xbf16>, vector<1024x256xbf16>, vector<2048x1024xf32> -> vector<2048x1024xf32>
    %add3A_69 = vector.broadcast %dot_general3A_66 : vector<1x1024xf32> to vector<2048x1024xf32>
    %add3A_70 = arith.addf %dot_general3A_68, %add3A_69 : vector<2048x1024xf32>
    %bitcast_convert_type3A_71 = tpu.bitcast %add3A_70 : vector<2048x1024xf32> -> vector<2048x1024xi32>
    %and3A_72 = arith.constant -1024 : i32
    %and3A_73 = vector.broadcast %and3A_72 : i32 to vector<2048x1024xi32>
    %and3A_74 = arith.andi %bitcast_convert_type3A_71, %and3A_73 : vector<2048x1024xi32>
    %or3A_75 = arith.ori %and3A_74, %iota3A : vector<2048x1024xi32>
    %bitcast_convert_type3A_76 = tpu.bitcast %or3A_75 : vector<2048x1024xi32> -> vector<2048x1024xf32>
    %reduce_min3A_77 = arith.constant dense<0x7F800000> : vector<2048xf32>
    %reduce_min3A_78 = vector.multi_reduction <minimumf>, %bitcast_convert_type3A_76, %reduce_min3A_77 [1] : vector<2048x1024xf32> to vector<2048xf32>
    %broadcast_in_dim3A_79 = vector.shape_cast %reduce_min3A_78 : vector<2048xf32> to vector<2048x1xf32>
    %lt3A_80 = arith.cmpf olt, %broadcast_in_dim3A_79, %select_n3A : vector<2048x1xf32>
    %select_n3A_81 = arith.select %lt3A_80, %broadcast_in_dim3A_79, %select_n3A : vector<2048x1xi1>, vector<2048x1xf32>
    %jit3A_82 = arith.constant 1 : i32
    %broadcast_in_dim3A_83 = vector.broadcast %jit3A_82 : i32 to vector<2048x1xi32>
    %select_n3A_84 = arith.select %lt3A_80, %broadcast_in_dim3A_83, %select_n3A_59 : vector<2048x1xi1>, vector<2048x1xi32>
    %get3A_85 = arith.constant 2048 : index
    %get3A_86 = arith.constant 0 : index
    %get3A_87 = vector.load %arg8[%get3A_85, %get3A_86] : memref<8192x256xbf16, #tpu.memory_space<vmem>>, vector<1024x256xbf16>
    %convert_element_type3A_88 = arith.extf %get3A_87 : vector<1024x256xbf16> to vector<1024x256xf32>
    %mul3A_89 = arith.mulf %convert_element_type3A_88, %convert_element_type3A_88 : vector<1024x256xf32>
    %dot_general3A_90 = arith.constant dense<0.000000e+00> : vector<1x1024xf32>
    %dot_general3A_91 = tpu.matmul %broadcast_in_dim3A_37, %mul3A_89, %dot_general3A_90 {dimension_numbers = #tpu.dot_dimension_numbers<[1], [1], [0], [0], [0, 0, 1, 0], [], []>, transpose_lhs_hint = false} : vector<1x256xf32>, vector<1024x256xf32>, vector<1x1024xf32> -> vector<1x1024xf32>
    %dot_general3A_92 = arith.constant dense<0.000000e+00> : vector<2048x1024xf32>
    %dot_general3A_93 = tpu.matmul %convert_element_type3A, %get3A_87, %dot_general3A_92 {dimension_numbers = #tpu.dot_dimension_numbers<[1], [1], [0], [0], [0, 0, 1, 0], [], []>, transpose_lhs_hint = false} : vector<2048x256xbf16>, vector<1024x256xbf16>, vector<2048x1024xf32> -> vector<2048x1024xf32>
    %add3A_94 = vector.broadcast %dot_general3A_91 : vector<1x1024xf32> to vector<2048x1024xf32>
    %add3A_95 = arith.addf %dot_general3A_93, %add3A_94 : vector<2048x1024xf32>
    %bitcast_convert_type3A_96 = tpu.bitcast %add3A_95 : vector<2048x1024xf32> -> vector<2048x1024xi32>
    %and3A_97 = arith.constant -1024 : i32
    %and3A_98 = vector.broadcast %and3A_97 : i32 to vector<2048x1024xi32>
    %and3A_99 = arith.andi %bitcast_convert_type3A_96, %and3A_98 : vector<2048x1024xi32>
    %or3A_100 = arith.ori %and3A_99, %iota3A : vector<2048x1024xi32>
    %bitcast_convert_type3A_101 = tpu.bitcast %or3A_100 : vector<2048x1024xi32> -> vector<2048x1024xf32>
    %reduce_min3A_102 = arith.constant dense<0x7F800000> : vector<2048xf32>
    %reduce_min3A_103 = vector.multi_reduction <minimumf>, %bitcast_convert_type3A_101, %reduce_min3A_102 [1] : vector<2048x1024xf32> to vector<2048xf32>
    %broadcast_in_dim3A_104 = vector.shape_cast %reduce_min3A_103 : vector<2048xf32> to vector<2048x1xf32>
    %lt3A_105 = arith.cmpf olt, %broadcast_in_dim3A_104, %select_n3A_81 : vector<2048x1xf32>
    %select_n3A_106 = arith.select %lt3A_105, %broadcast_in_dim3A_104, %select_n3A_81 : vector<2048x1xi1>, vector<2048x1xf32>
    %jit3A_107 = arith.constant 2 : i32
    %broadcast_in_dim3A_108 = vector.broadcast %jit3A_107 : i32 to vector<2048x1xi32>
    %select_n3A_109 = arith.select %lt3A_105, %broadcast_in_dim3A_108, %select_n3A_84 : vector<2048x1xi1>, vector<2048x1xi32>
    %get3A_110 = arith.constant 3072 : index
    %get3A_111 = arith.constant 0 : index
    %get3A_112 = vector.load %arg8[%get3A_110, %get3A_111] : memref<8192x256xbf16, #tpu.memory_space<vmem>>, vector<1024x256xbf16>
    %convert_element_type3A_113 = arith.extf %get3A_112 : vector<1024x256xbf16> to vector<1024x256xf32>
    %mul3A_114 = arith.mulf %convert_element_type3A_113, %convert_element_type3A_113 : vector<1024x256xf32>
    %dot_general3A_115 = arith.constant dense<0.000000e+00> : vector<1x1024xf32>
    %dot_general3A_116 = tpu.matmul %broadcast_in_dim3A_37, %mul3A_114, %dot_general3A_115 {dimension_numbers = #tpu.dot_dimension_numbers<[1], [1], [0], [0], [0, 0, 1, 0], [], []>, transpose_lhs_hint = false} : vector<1x256xf32>, vector<1024x256xf32>, vector<1x1024xf32> -> vector<1x1024xf32>
    %dot_general3A_117 = arith.constant dense<0.000000e+00> : vector<2048x1024xf32>
    %dot_general3A_118 = tpu.matmul %convert_element_type3A, %get3A_112, %dot_general3A_117 {dimension_numbers = #tpu.dot_dimension_numbers<[1], [1], [0], [0], [0, 0, 1, 0], [], []>, transpose_lhs_hint = false} : vector<2048x256xbf16>, vector<1024x256xbf16>, vector<2048x1024xf32> -> vector<2048x1024xf32>
    %add3A_119 = vector.broadcast %dot_general3A_116 : vector<1x1024xf32> to vector<2048x1024xf32>
    %add3A_120 = arith.addf %dot_general3A_118, %add3A_119 : vector<2048x1024xf32>
    %bitcast_convert_type3A_121 = tpu.bitcast %add3A_120 : vector<2048x1024xf32> -> vector<2048x1024xi32>
    %and3A_122 = arith.constant -1024 : i32
    %and3A_123 = vector.broadcast %and3A_122 : i32 to vector<2048x1024xi32>
    %and3A_124 = arith.andi %bitcast_convert_type3A_121, %and3A_123 : vector<2048x1024xi32>
    %or3A_125 = arith.ori %and3A_124, %iota3A : vector<2048x1024xi32>
    %bitcast_convert_type3A_126 = tpu.bitcast %or3A_125 : vector<2048x1024xi32> -> vector<2048x1024xf32>
    %reduce_min3A_127 = arith.constant dense<0x7F800000> : vector<2048xf32>
    %reduce_min3A_128 = vector.multi_reduction <minimumf>, %bitcast_convert_type3A_126, %reduce_min3A_127 [1] : vector<2048x1024xf32> to vector<2048xf32>
    %broadcast_in_dim3A_129 = vector.shape_cast %reduce_min3A_128 : vector<2048xf32> to vector<2048x1xf32>
    %lt3A_130 = arith.cmpf olt, %broadcast_in_dim3A_129, %select_n3A_106 : vector<2048x1xf32>
    %select_n3A_131 = arith.select %lt3A_130, %broadcast_in_dim3A_129, %select_n3A_106 : vector<2048x1xi1>, vector<2048x1xf32>
    %jit3A_132 = arith.constant 3 : i32
    %broadcast_in_dim3A_133 = vector.broadcast %jit3A_132 : i32 to vector<2048x1xi32>
    %select_n3A_134 = arith.select %lt3A_130, %broadcast_in_dim3A_133, %select_n3A_109 : vector<2048x1xi1>, vector<2048x1xi32>
    %get3A_135 = arith.constant 4096 : index
    %get3A_136 = arith.constant 0 : index
    %get3A_137 = vector.load %arg8[%get3A_135, %get3A_136] : memref<8192x256xbf16, #tpu.memory_space<vmem>>, vector<1024x256xbf16>
    %convert_element_type3A_138 = arith.extf %get3A_137 : vector<1024x256xbf16> to vector<1024x256xf32>
    %mul3A_139 = arith.mulf %convert_element_type3A_138, %convert_element_type3A_138 : vector<1024x256xf32>
    %dot_general3A_140 = arith.constant dense<0.000000e+00> : vector<1x1024xf32>
    %dot_general3A_141 = tpu.matmul %broadcast_in_dim3A_37, %mul3A_139, %dot_general3A_140 {dimension_numbers = #tpu.dot_dimension_numbers<[1], [1], [0], [0], [0, 0, 1, 0], [], []>, transpose_lhs_hint = false} : vector<1x256xf32>, vector<1024x256xf32>, vector<1x1024xf32> -> vector<1x1024xf32>
    %dot_general3A_142 = arith.constant dense<0.000000e+00> : vector<2048x1024xf32>
    %dot_general3A_143 = tpu.matmul %convert_element_type3A, %get3A_137, %dot_general3A_142 {dimension_numbers = #tpu.dot_dimension_numbers<[1], [1], [0], [0], [0, 0, 1, 0], [], []>, transpose_lhs_hint = false} : vector<2048x256xbf16>, vector<1024x256xbf16>, vector<2048x1024xf32> -> vector<2048x1024xf32>
    %add3A_144 = vector.broadcast %dot_general3A_141 : vector<1x1024xf32> to vector<2048x1024xf32>
    %add3A_145 = arith.addf %dot_general3A_143, %add3A_144 : vector<2048x1024xf32>
    %bitcast_convert_type3A_146 = tpu.bitcast %add3A_145 : vector<2048x1024xf32> -> vector<2048x1024xi32>
    %and3A_147 = arith.constant -1024 : i32
    %and3A_148 = vector.broadcast %and3A_147 : i32 to vector<2048x1024xi32>
    %and3A_149 = arith.andi %bitcast_convert_type3A_146, %and3A_148 : vector<2048x1024xi32>
    %or3A_150 = arith.ori %and3A_149, %iota3A : vector<2048x1024xi32>
    %bitcast_convert_type3A_151 = tpu.bitcast %or3A_150 : vector<2048x1024xi32> -> vector<2048x1024xf32>
    %reduce_min3A_152 = arith.constant dense<0x7F800000> : vector<2048xf32>
    %reduce_min3A_153 = vector.multi_reduction <minimumf>, %bitcast_convert_type3A_151, %reduce_min3A_152 [1] : vector<2048x1024xf32> to vector<2048xf32>
    %broadcast_in_dim3A_154 = vector.shape_cast %reduce_min3A_153 : vector<2048xf32> to vector<2048x1xf32>
    %lt3A_155 = arith.cmpf olt, %broadcast_in_dim3A_154, %select_n3A_131 : vector<2048x1xf32>
    %select_n3A_156 = arith.select %lt3A_155, %broadcast_in_dim3A_154, %select_n3A_131 : vector<2048x1xi1>, vector<2048x1xf32>
    %jit3A_157 = arith.constant 4 : i32
    %broadcast_in_dim3A_158 = vector.broadcast %jit3A_157 : i32 to vector<2048x1xi32>
    %select_n3A_159 = arith.select %lt3A_155, %broadcast_in_dim3A_158, %select_n3A_134 : vector<2048x1xi1>, vector<2048x1xi32>
    %get3A_160 = arith.constant 5120 : index
    %get3A_161 = arith.constant 0 : index
    %get3A_162 = vector.load %arg8[%get3A_160, %get3A_161] : memref<8192x256xbf16, #tpu.memory_space<vmem>>, vector<1024x256xbf16>
    %convert_element_type3A_163 = arith.extf %get3A_162 : vector<1024x256xbf16> to vector<1024x256xf32>
    %mul3A_164 = arith.mulf %convert_element_type3A_163, %convert_element_type3A_163 : vector<1024x256xf32>
    %dot_general3A_165 = arith.constant dense<0.000000e+00> : vector<1x1024xf32>
    %dot_general3A_166 = tpu.matmul %broadcast_in_dim3A_37, %mul3A_164, %dot_general3A_165 {dimension_numbers = #tpu.dot_dimension_numbers<[1], [1], [0], [0], [0, 0, 1, 0], [], []>, transpose_lhs_hint = false} : vector<1x256xf32>, vector<1024x256xf32>, vector<1x1024xf32> -> vector<1x1024xf32>
    %dot_general3A_167 = arith.constant dense<0.000000e+00> : vector<2048x1024xf32>
    %dot_general3A_168 = tpu.matmul %convert_element_type3A, %get3A_162, %dot_general3A_167 {dimension_numbers = #tpu.dot_dimension_numbers<[1], [1], [0], [0], [0, 0, 1, 0], [], []>, transpose_lhs_hint = false} : vector<2048x256xbf16>, vector<1024x256xbf16>, vector<2048x1024xf32> -> vector<2048x1024xf32>
    %add3A_169 = vector.broadcast %dot_general3A_166 : vector<1x1024xf32> to vector<2048x1024xf32>
    %add3A_170 = arith.addf %dot_general3A_168, %add3A_169 : vector<2048x1024xf32>
    %bitcast_convert_type3A_171 = tpu.bitcast %add3A_170 : vector<2048x1024xf32> -> vector<2048x1024xi32>
    %and3A_172 = arith.constant -1024 : i32
    %and3A_173 = vector.broadcast %and3A_172 : i32 to vector<2048x1024xi32>
    %and3A_174 = arith.andi %bitcast_convert_type3A_171, %and3A_173 : vector<2048x1024xi32>
    %or3A_175 = arith.ori %and3A_174, %iota3A : vector<2048x1024xi32>
    %bitcast_convert_type3A_176 = tpu.bitcast %or3A_175 : vector<2048x1024xi32> -> vector<2048x1024xf32>
    %reduce_min3A_177 = arith.constant dense<0x7F800000> : vector<2048xf32>
    %reduce_min3A_178 = vector.multi_reduction <minimumf>, %bitcast_convert_type3A_176, %reduce_min3A_177 [1] : vector<2048x1024xf32> to vector<2048xf32>
    %broadcast_in_dim3A_179 = vector.shape_cast %reduce_min3A_178 : vector<2048xf32> to vector<2048x1xf32>
    %lt3A_180 = arith.cmpf olt, %broadcast_in_dim3A_179, %select_n3A_156 : vector<2048x1xf32>
    %select_n3A_181 = arith.select %lt3A_180, %broadcast_in_dim3A_179, %select_n3A_156 : vector<2048x1xi1>, vector<2048x1xf32>
    %jit3A_182 = arith.constant 5 : i32
    %broadcast_in_dim3A_183 = vector.broadcast %jit3A_182 : i32 to vector<2048x1xi32>
    %select_n3A_184 = arith.select %lt3A_180, %broadcast_in_dim3A_183, %select_n3A_159 : vector<2048x1xi1>, vector<2048x1xi32>
    %get3A_185 = arith.constant 6144 : index
    %get3A_186 = arith.constant 0 : index
    %get3A_187 = vector.load %arg8[%get3A_185, %get3A_186] : memref<8192x256xbf16, #tpu.memory_space<vmem>>, vector<1024x256xbf16>
    %convert_element_type3A_188 = arith.extf %get3A_187 : vector<1024x256xbf16> to vector<1024x256xf32>
    %mul3A_189 = arith.mulf %convert_element_type3A_188, %convert_element_type3A_188 : vector<1024x256xf32>
    %dot_general3A_190 = arith.constant dense<0.000000e+00> : vector<1x1024xf32>
    %dot_general3A_191 = tpu.matmul %broadcast_in_dim3A_37, %mul3A_189, %dot_general3A_190 {dimension_numbers = #tpu.dot_dimension_numbers<[1], [1], [0], [0], [0, 0, 1, 0], [], []>, transpose_lhs_hint = false} : vector<1x256xf32>, vector<1024x256xf32>, vector<1x1024xf32> -> vector<1x1024xf32>
    %dot_general3A_192 = arith.constant dense<0.000000e+00> : vector<2048x1024xf32>
    %dot_general3A_193 = tpu.matmul %convert_element_type3A, %get3A_187, %dot_general3A_192 {dimension_numbers = #tpu.dot_dimension_numbers<[1], [1], [0], [0], [0, 0, 1, 0], [], []>, transpose_lhs_hint = false} : vector<2048x256xbf16>, vector<1024x256xbf16>, vector<2048x1024xf32> -> vector<2048x1024xf32>
    %add3A_194 = vector.broadcast %dot_general3A_191 : vector<1x1024xf32> to vector<2048x1024xf32>
    %add3A_195 = arith.addf %dot_general3A_193, %add3A_194 : vector<2048x1024xf32>
    %bitcast_convert_type3A_196 = tpu.bitcast %add3A_195 : vector<2048x1024xf32> -> vector<2048x1024xi32>
    %and3A_197 = arith.constant -1024 : i32
    %and3A_198 = vector.broadcast %and3A_197 : i32 to vector<2048x1024xi32>
    %and3A_199 = arith.andi %bitcast_convert_type3A_196, %and3A_198 : vector<2048x1024xi32>
    %or3A_200 = arith.ori %and3A_199, %iota3A : vector<2048x1024xi32>
    %bitcast_convert_type3A_201 = tpu.bitcast %or3A_200 : vector<2048x1024xi32> -> vector<2048x1024xf32>
    %reduce_min3A_202 = arith.constant dense<0x7F800000> : vector<2048xf32>
    %reduce_min3A_203 = vector.multi_reduction <minimumf>, %bitcast_convert_type3A_201, %reduce_min3A_202 [1] : vector<2048x1024xf32> to vector<2048xf32>
    %broadcast_in_dim3A_204 = vector.shape_cast %reduce_min3A_203 : vector<2048xf32> to vector<2048x1xf32>
    %lt3A_205 = arith.cmpf olt, %broadcast_in_dim3A_204, %select_n3A_181 : vector<2048x1xf32>
    %select_n3A_206 = arith.select %lt3A_205, %broadcast_in_dim3A_204, %select_n3A_181 : vector<2048x1xi1>, vector<2048x1xf32>
    %jit3A_207 = arith.constant 6 : i32
    %broadcast_in_dim3A_208 = vector.broadcast %jit3A_207 : i32 to vector<2048x1xi32>
    %select_n3A_209 = arith.select %lt3A_205, %broadcast_in_dim3A_208, %select_n3A_184 : vector<2048x1xi1>, vector<2048x1xi32>
    %get3A_210 = arith.constant 7168 : index
    %get3A_211 = arith.constant 0 : index
    %get3A_212 = vector.load %arg8[%get3A_210, %get3A_211] : memref<8192x256xbf16, #tpu.memory_space<vmem>>, vector<1024x256xbf16>
    %convert_element_type3A_213 = arith.extf %get3A_212 : vector<1024x256xbf16> to vector<1024x256xf32>
    %mul3A_214 = arith.mulf %convert_element_type3A_213, %convert_element_type3A_213 : vector<1024x256xf32>
    %dot_general3A_215 = arith.constant dense<0.000000e+00> : vector<1x1024xf32>
    %dot_general3A_216 = tpu.matmul %broadcast_in_dim3A_37, %mul3A_214, %dot_general3A_215 {dimension_numbers = #tpu.dot_dimension_numbers<[1], [1], [0], [0], [0, 0, 1, 0], [], []>, transpose_lhs_hint = false} : vector<1x256xf32>, vector<1024x256xf32>, vector<1x1024xf32> -> vector<1x1024xf32>
    %dot_general3A_217 = arith.constant dense<0.000000e+00> : vector<2048x1024xf32>
    %dot_general3A_218 = tpu.matmul %convert_element_type3A, %get3A_212, %dot_general3A_217 {dimension_numbers = #tpu.dot_dimension_numbers<[1], [1], [0], [0], [0, 0, 1, 0], [], []>, transpose_lhs_hint = false} : vector<2048x256xbf16>, vector<1024x256xbf16>, vector<2048x1024xf32> -> vector<2048x1024xf32>
    %add3A_219 = vector.broadcast %dot_general3A_216 : vector<1x1024xf32> to vector<2048x1024xf32>
    %add3A_220 = arith.addf %dot_general3A_218, %add3A_219 : vector<2048x1024xf32>
    %bitcast_convert_type3A_221 = tpu.bitcast %add3A_220 : vector<2048x1024xf32> -> vector<2048x1024xi32>
    %and3A_222 = arith.constant -1024 : i32
    %and3A_223 = vector.broadcast %and3A_222 : i32 to vector<2048x1024xi32>
    %and3A_224 = arith.andi %bitcast_convert_type3A_221, %and3A_223 : vector<2048x1024xi32>
    %or3A_225 = arith.ori %and3A_224, %iota3A : vector<2048x1024xi32>
    %bitcast_convert_type3A_226 = tpu.bitcast %or3A_225 : vector<2048x1024xi32> -> vector<2048x1024xf32>
    %reduce_min3A_227 = arith.constant dense<0x7F800000> : vector<2048xf32>
    %reduce_min3A_228 = vector.multi_reduction <minimumf>, %bitcast_convert_type3A_226, %reduce_min3A_227 [1] : vector<2048x1024xf32> to vector<2048xf32>
    %broadcast_in_dim3A_229 = vector.shape_cast %reduce_min3A_228 : vector<2048xf32> to vector<2048x1xf32>
    %lt3A_230 = arith.cmpf olt, %broadcast_in_dim3A_229, %select_n3A_206 : vector<2048x1xf32>
    %select_n3A_231 = arith.select %lt3A_230, %broadcast_in_dim3A_229, %select_n3A_206 : vector<2048x1xi1>, vector<2048x1xf32>
    %jit3A_232 = arith.constant 7 : i32
    %broadcast_in_dim3A_233 = vector.broadcast %jit3A_232 : i32 to vector<2048x1xi32>
    %select_n3A_234 = arith.select %lt3A_230, %broadcast_in_dim3A_233, %select_n3A_209 : vector<2048x1xi1>, vector<2048x1xi32>
    %bitcast_convert_type3A_235 = tpu.bitcast %select_n3A_231 : vector<2048x1xf32> -> vector<2048x1xi32>
    %mul3A_236 = arith.constant 1024 : i32
    %mul3A_237 = vector.broadcast %mul3A_236 : i32 to vector<2048x1xi32>
    %mul3A_238 = arith.muli %select_n3A_234, %mul3A_237 : vector<2048x1xi32>
    %and3A_239 = arith.constant 1023 : i32
    %and3A_240 = vector.broadcast %and3A_239 : i32 to vector<2048x1xi32>
    %and3A_241 = arith.andi %bitcast_convert_type3A_235, %and3A_240 : vector<2048x1xi32>
    %add3A_242 = arith.addi %mul3A_238, %and3A_241 : vector<2048x1xi32>
    %swap3A = arith.constant 0 : index
    %swap3A_243 = arith.constant 0 : index
    %swap3A_244 = arith.constant 0 : index
    %swap3A_245 = vector.load %arg9[%swap3A, %swap3A_243, %swap3A_244] : memref<1x2048x1xi32, #tpu.memory_space<vmem>>, vector<1x2048x1xi32>
    %swap3A_246 = vector.shape_cast %swap3A_245 : vector<1x2048x1xi32> to vector<2048x1xi32>
    %swap3A_247 = vector.shape_cast %add3A_242 : vector<2048x1xi32> to vector<1x2048x1xi32>
    tpu.vector_store %arg9[%swap3A, %swap3A_243, %swap3A_244], %swap3A_247 {strides = array<i32>} : memref<1x2048x1xi32, #tpu.memory_space<vmem>>, vector<1x2048x1xi32>,
    %and3A_248 = arith.constant -1024 : i32
    %and3A_249 = vector.broadcast %and3A_248 : i32 to vector<2048x1xi32>
    %and3A_250 = arith.andi %bitcast_convert_type3A_235, %and3A_249 : vector<2048x1xi32>
    %bitcast_convert_type3A_251 = tpu.bitcast %and3A_250 : vector<2048x1xi32> -> vector<2048x1xf32>
    %mul3A_252 = arith.mulf %add3A_34, %add3A_34 : vector<2048x256xf32>
    %reduce_sum3A = arith.constant dense<0.000000e+00> : vector<2048xf32>
    %reduce_sum3A_253 = vector.multi_reduction <add>, %mul3A_252, %reduce_sum3A [1] : vector<2048x256xf32> to vector<2048xf32>
    %broadcast_in_dim3A_254 = vector.shape_cast %reduce_sum3A_253 : vector<2048xf32> to vector<2048x1xf32>
    %add3A_255 = arith.addf %broadcast_in_dim3A_254, %bitcast_convert_type3A_251 : vector<2048x1xf32>
    %reduce_sum3A_256 = arith.constant dense<0.000000e+00> : vector<1xf32>
    %reduce_sum3A_257 = vector.multi_reduction <add>, %add3A_255, %reduce_sum3A_256 [0] : vector<2048x1xf32> to vector<1xf32>
    %broadcast_in_dim3A_258 = vector.shape_cast %reduce_sum3A_257 : vector<1xf32> to vector<1x1xf32>
    %eq3A = arith.constant 0 : i32
    %eq3A_259 = arith.cmpi eq, %arg0, %eq3A : i32
    %convert_element_type3A_260 = arith.extui %eq3A_259 : i1 to i32
    %cond3A = arith.constant 0 : i32
    %cond3A_261 = arith.cmpi ne, %convert_element_type3A_260, %cond3A : i32
    scf.if %cond3A_261 {
      %swap3A_266 = arith.constant 0 : index
      %swap3A_267 = arith.constant 0 : index
      %swap3A_268 = vector.load %arg10[%swap3A_266, %swap3A_267] : memref<1x1xf32, #tpu.memory_space<vmem>>, vector<1x1xf32>
      tpu.vector_store %arg10[%swap3A_266, %swap3A_267], %broadcast_in_dim3A_258 {strides = array<i32>} : memref<1x1xf32, #tpu.memory_space<vmem>>, vector<1x1xf32>,
    } else {
    }
    %ne3A = arith.constant 0 : i32
    %ne3A_262 = arith.cmpi ne, %arg0, %ne3A : i32
    %convert_element_type3A_263 = arith.extui %ne3A_262 : i1 to i32
    %cond3A_264 = arith.constant 0 : i32
    %cond3A_265 = arith.cmpi ne, %convert_element_type3A_263, %cond3A_264 : i32
    scf.if %cond3A_265 {
      %get3A_266 = arith.constant 0 : index
      %get3A_267 = arith.constant 0 : index
      %get3A_268 = vector.load %arg10[%get3A_266, %get3A_267] : memref<1x1xf32, #tpu.memory_space<vmem>>, vector<1x1xf32>
      %add3A_269 = arith.addf %get3A_268, %broadcast_in_dim3A_258 : vector<1x1xf32>
      %swap3A_270 = arith.constant 0 : index
      %swap3A_271 = arith.constant 0 : index
      %swap3A_272 = vector.load %arg10[%swap3A_270, %swap3A_271] : memref<1x1xf32, #tpu.memory_space<vmem>>, vector<1x1xf32>
      tpu.vector_store %arg10[%swap3A_270, %swap3A_271], %add3A_269 {strides = array<i32>} : memref<1x1xf32, #tpu.memory_space<vmem>>, vector<1x1xf32>,
    } else {
    }
    return
  }
  func.func @transform_0(%arg0: i32) -> (i32, i32) {
    %c0_i32 = arith.constant 0 : i32
    %c0_i32_0 = arith.constant 0 : i32
    return %arg0, %c0_i32 : i32, i32
  }
  func.func @transform_1(%arg0: i32) -> (i32, i32) {
    %c0_i32 = arith.constant 0 : i32
    %c0_i32_0 = arith.constant 0 : i32
    %c0_i32_1 = arith.constant 0 : i32
    return %c0_i32, %c0_i32_0 : i32, i32
  }
  func.func @transform_2(%arg0: i32) -> (i32, i32) {
    %c0_i32 = arith.constant 0 : i32
    %c0_i32_0 = arith.constant 0 : i32
    %c0_i32_1 = arith.constant 0 : i32
    return %c0_i32, %c0_i32_0 : i32, i32
  }
  func.func @transform_3(%arg0: i32) -> (i32, i32) {
    %c0_i32 = arith.constant 0 : i32
    %c0_i32_0 = arith.constant 0 : i32
    %c0_i32_1 = arith.constant 0 : i32
    return %c0_i32, %c0_i32_0 : i32, i32
  }
  func.func @transform_4(%arg0: i32) -> (i32, i32) {
    %c0_i32 = arith.constant 0 : i32
    %c0_i32_0 = arith.constant 0 : i32
    %c0_i32_1 = arith.constant 0 : i32
    return %c0_i32, %c0_i32_0 : i32, i32
  }
  func.func @transform_5(%arg0: i32) -> (i32, i32) {
    %c0_i32 = arith.constant 0 : i32
    %c0_i32_0 = arith.constant 0 : i32
    %c0_i32_1 = arith.constant 0 : i32
    return %c0_i32, %c0_i32_0 : i32, i32
  }
  func.func @transform_6(%arg0: i32) -> (i32, i32) {
    %c0_i32 = arith.constant 0 : i32
    %c0_i32_0 = arith.constant 0 : i32
    %c0_i32_1 = arith.constant 0 : i32
    return %c0_i32, %c0_i32_0 : i32, i32
  }
  func.func @transform_7(%arg0: i32) -> (i32, i32) {
    %c0_i32 = arith.constant 0 : i32
    %c0_i32_0 = arith.constant 0 : i32
    %c0_i32_1 = arith.constant 0 : i32
    return %c0_i32, %c0_i32_0 : i32, i32
  }
  func.func @transform_8(%arg0: i32) -> (i32, i32, i32) {
    %c0_i32 = arith.constant 0 : i32
    %c0_i32_0 = arith.constant 0 : i32
    %c0_i32_1 = arith.constant 0 : i32
    return %arg0, %c0_i32, %c0_i32_0 : i32, i32, i32
  }
  func.func @transform_9(%arg0: i32) -> (i32, i32) {
    %c0_i32 = arith.constant 0 : i32
    %c0_i32_0 = arith.constant 0 : i32
    %c0_i32_1 = arith.constant 0 : i32
    return %c0_i32, %c0_i32_0 : i32, i32
  }
}

module attributes {stable_mosaic.version = 14 : i64} {
  func.func @_dec_loss_body(%arg0: i32, %arg1: memref<2048x256xf32, #tpu.memory_space<vmem>>, %arg2: memref<2048x6xf32, #tpu.memory_space<vmem>>, %arg3: memref<256x256xf32, #tpu.memory_space<vmem>>, %arg4: memref<1x256xf32, #tpu.memory_space<vmem>>, %arg5: memref<256x256xf32, #tpu.memory_space<vmem>>, %arg6: memref<1x256xf32, #tpu.memory_space<vmem>>, %arg7: memref<6x256xf32, #tpu.memory_space<vmem>>, %arg8: memref<1x6xf32, #tpu.memory_space<vmem>>, %arg9: memref<1x1xf32, #tpu.memory_space<vmem>>) attributes {dimension_semantics = [#tpu.dimension_semantics<arbitrary>], iteration_bounds = array<i64: 4>, scalar_prefetch = 0 : i64, scratch_operands = 0 : i64, tpu.core_type = #tpu.core_type<tc>, window_params = [{transform_indices = @transform_0, window_bounds = array<i64: 2048, 256>}, {transform_indices = @transform_1, window_bounds = array<i64: 2048, 6>}, {pipeline_mode = #tpu.pipeline_mode<synchronous>, transform_indices = @transform_2, window_bounds = array<i64: 256, 256>}, {pipeline_mode = #tpu.pipeline_mode<synchronous>, transform_indices = @transform_3, window_bounds = array<i64: 1, 256>}, {pipeline_mode = #tpu.pipeline_mode<synchronous>, transform_indices = @transform_4, window_bounds = array<i64: 256, 256>}, {pipeline_mode = #tpu.pipeline_mode<synchronous>, transform_indices = @transform_5, window_bounds = array<i64: 1, 256>}, {pipeline_mode = #tpu.pipeline_mode<synchronous>, transform_indices = @transform_6, window_bounds = array<i64: 6, 256>}, {pipeline_mode = #tpu.pipeline_mode<synchronous>, transform_indices = @transform_7, window_bounds = array<i64: 1, 6>}, {pipeline_mode = #tpu.pipeline_mode<synchronous>, transform_indices = @transform_8, window_bounds = array<i64: 1, 1>}]} {
    %get3A = arith.constant 0 : index
    %get3A_0 = arith.constant 0 : index
    %get3A_1 = vector.load %arg1[%get3A, %get3A_0] : memref<2048x256xf32, #tpu.memory_space<vmem>>, vector<2048x256xf32>
    %get3A_2 = arith.constant 0 : index
    %get3A_3 = arith.constant 0 : index
    %get3A_4 = vector.load %arg3[%get3A_2, %get3A_3] : memref<256x256xf32, #tpu.memory_space<vmem>>, vector<256x256xf32>
    %dot_general3A = arith.constant dense<0.000000e+00> : vector<2048x256xf32>
    %dot_general3A_5 = tpu.matmul %get3A_1, %get3A_4, %dot_general3A {dimension_numbers = #tpu.dot_dimension_numbers<[1], [1], [0], [0], [0, 0, 1, 0], [], []>, transpose_lhs_hint = false} : vector<2048x256xf32>, vector<256x256xf32>, vector<2048x256xf32> -> vector<2048x256xf32>
    %get3A_6 = arith.constant 0 : index
    %get3A_7 = arith.constant 0 : index
    %get3A_8 = vector.load %arg4[%get3A_6, %get3A_7] : memref<1x256xf32, #tpu.memory_space<vmem>>, vector<1x256xf32>
    %add3A = vector.broadcast %get3A_8 : vector<1x256xf32> to vector<2048x256xf32>
    %add3A_9 = arith.addf %dot_general3A_5, %add3A : vector<2048x256xf32>
    %max3A = arith.constant 0.000000e+00 : f32
    %max3A_10 = vector.broadcast %max3A : f32 to vector<2048x256xf32>
    %max3A_11 = arith.maximumf %add3A_9, %max3A_10 : vector<2048x256xf32>
    %get3A_12 = arith.constant 0 : index
    %get3A_13 = arith.constant 0 : index
    %get3A_14 = vector.load %arg5[%get3A_12, %get3A_13] : memref<256x256xf32, #tpu.memory_space<vmem>>, vector<256x256xf32>
    %dot_general3A_15 = arith.constant dense<0.000000e+00> : vector<2048x256xf32>
    %dot_general3A_16 = tpu.matmul %max3A_11, %get3A_14, %dot_general3A_15 {dimension_numbers = #tpu.dot_dimension_numbers<[1], [1], [0], [0], [0, 0, 1, 0], [], []>, transpose_lhs_hint = false} : vector<2048x256xf32>, vector<256x256xf32>, vector<2048x256xf32> -> vector<2048x256xf32>
    %get3A_17 = arith.constant 0 : index
    %get3A_18 = arith.constant 0 : index
    %get3A_19 = vector.load %arg6[%get3A_17, %get3A_18] : memref<1x256xf32, #tpu.memory_space<vmem>>, vector<1x256xf32>
    %add3A_20 = vector.broadcast %get3A_19 : vector<1x256xf32> to vector<2048x256xf32>
    %add3A_21 = arith.addf %dot_general3A_16, %add3A_20 : vector<2048x256xf32>
    %max3A_22 = arith.constant 0.000000e+00 : f32
    %max3A_23 = vector.broadcast %max3A_22 : f32 to vector<2048x256xf32>
    %max3A_24 = arith.maximumf %add3A_21, %max3A_23 : vector<2048x256xf32>
    %get3A_25 = arith.constant 0 : index
    %get3A_26 = arith.constant 0 : index
    %get3A_27 = vector.load %arg7[%get3A_25, %get3A_26] : memref<6x256xf32, #tpu.memory_space<vmem>>, vector<6x256xf32>
    %dot_general3A_28 = arith.constant dense<0.000000e+00> : vector<2048x6xf32>
    %dot_general3A_29 = tpu.matmul %max3A_24, %get3A_27, %dot_general3A_28 {dimension_numbers = #tpu.dot_dimension_numbers<[1], [1], [0], [0], [0, 0, 1, 0], [], []>, transpose_lhs_hint = false} : vector<2048x256xf32>, vector<6x256xf32>, vector<2048x6xf32> -> vector<2048x6xf32>
    %get3A_30 = arith.constant 0 : index
    %get3A_31 = arith.constant 0 : index
    %get3A_32 = vector.load %arg8[%get3A_30, %get3A_31] : memref<1x6xf32, #tpu.memory_space<vmem>>, vector<1x6xf32>
    %add3A_33 = vector.broadcast %get3A_32 : vector<1x6xf32> to vector<2048x6xf32>
    %add3A_34 = arith.addf %dot_general3A_29, %add3A_33 : vector<2048x6xf32>
    %tanh3A = math.tanh %add3A_34 : vector<2048x6xf32>
    %get3A_35 = arith.constant 0 : index
    %get3A_36 = arith.constant 0 : index
    %get3A_37 = vector.load %arg2[%get3A_35, %get3A_36] : memref<2048x6xf32, #tpu.memory_space<vmem>>, vector<2048x6xf32>
    %sub3A = arith.subf %tanh3A, %get3A_37 : vector<2048x6xf32>
    %mul3A = arith.mulf %sub3A, %sub3A : vector<2048x6xf32>
    %reduce_sum3A = arith.constant dense<0.000000e+00> : vector<2048xf32>
    %reduce_sum3A_38 = vector.multi_reduction <add>, %mul3A, %reduce_sum3A [1] : vector<2048x6xf32> to vector<2048xf32>
    %broadcast_in_dim3A = vector.shape_cast %reduce_sum3A_38 : vector<2048xf32> to vector<2048x1xf32>
    %reduce_sum3A_39 = arith.constant dense<0.000000e+00> : vector<1xf32>
    %reduce_sum3A_40 = vector.multi_reduction <add>, %broadcast_in_dim3A, %reduce_sum3A_39 [0] : vector<2048x1xf32> to vector<1xf32>
    %broadcast_in_dim3A_41 = vector.shape_cast %reduce_sum3A_40 : vector<1xf32> to vector<1x1xf32>
    %eq3A = arith.constant 0 : i32
    %eq3A_42 = arith.cmpi eq, %arg0, %eq3A : i32
    %convert_element_type3A = arith.extui %eq3A_42 : i1 to i32
    %cond3A = arith.constant 0 : i32
    %cond3A_43 = arith.cmpi ne, %convert_element_type3A, %cond3A : i32
    scf.if %cond3A_43 {
      %swap3A = arith.constant 0 : index
      %swap3A_48 = arith.constant 0 : index
      %swap3A_49 = vector.load %arg9[%swap3A, %swap3A_48] : memref<1x1xf32, #tpu.memory_space<vmem>>, vector<1x1xf32>
      tpu.vector_store %arg9[%swap3A, %swap3A_48], %broadcast_in_dim3A_41 {strides = array<i32>} : memref<1x1xf32, #tpu.memory_space<vmem>>, vector<1x1xf32>,
    } else {
    }
    %ne3A = arith.constant 0 : i32
    %ne3A_44 = arith.cmpi ne, %arg0, %ne3A : i32
    %convert_element_type3A_45 = arith.extui %ne3A_44 : i1 to i32
    %cond3A_46 = arith.constant 0 : i32
    %cond3A_47 = arith.cmpi ne, %convert_element_type3A_45, %cond3A_46 : i32
    scf.if %cond3A_47 {
      %get3A_48 = arith.constant 0 : index
      %get3A_49 = arith.constant 0 : index
      %get3A_50 = vector.load %arg9[%get3A_48, %get3A_49] : memref<1x1xf32, #tpu.memory_space<vmem>>, vector<1x1xf32>
      %add3A_51 = arith.addf %get3A_50, %broadcast_in_dim3A_41 : vector<1x1xf32>
      %swap3A = arith.constant 0 : index
      %swap3A_52 = arith.constant 0 : index
      %swap3A_53 = vector.load %arg9[%swap3A, %swap3A_52] : memref<1x1xf32, #tpu.memory_space<vmem>>, vector<1x1xf32>
      tpu.vector_store %arg9[%swap3A, %swap3A_52], %add3A_51 {strides = array<i32>} : memref<1x1xf32, #tpu.memory_space<vmem>>, vector<1x1xf32>,
    } else {
    }
    return
  }
  func.func @transform_0(%arg0: i32) -> (i32, i32) {
    %c0_i32 = arith.constant 0 : i32
    %c0_i32_0 = arith.constant 0 : i32
    return %arg0, %c0_i32 : i32, i32
  }
  func.func @transform_1(%arg0: i32) -> (i32, i32) {
    %c0_i32 = arith.constant 0 : i32
    %c0_i32_0 = arith.constant 0 : i32
    return %arg0, %c0_i32 : i32, i32
  }
  func.func @transform_2(%arg0: i32) -> (i32, i32) {
    %c0_i32 = arith.constant 0 : i32
    %c0_i32_0 = arith.constant 0 : i32
    %c0_i32_1 = arith.constant 0 : i32
    return %c0_i32, %c0_i32_0 : i32, i32
  }
  func.func @transform_3(%arg0: i32) -> (i32, i32) {
    %c0_i32 = arith.constant 0 : i32
    %c0_i32_0 = arith.constant 0 : i32
    %c0_i32_1 = arith.constant 0 : i32
    return %c0_i32, %c0_i32_0 : i32, i32
  }
  func.func @transform_4(%arg0: i32) -> (i32, i32) {
    %c0_i32 = arith.constant 0 : i32
    %c0_i32_0 = arith.constant 0 : i32
    %c0_i32_1 = arith.constant 0 : i32
    return %c0_i32, %c0_i32_0 : i32, i32
  }
  func.func @transform_5(%arg0: i32) -> (i32, i32) {
    %c0_i32 = arith.constant 0 : i32
    %c0_i32_0 = arith.constant 0 : i32
    %c0_i32_1 = arith.constant 0 : i32
    return %c0_i32, %c0_i32_0 : i32, i32
  }
  func.func @transform_6(%arg0: i32) -> (i32, i32) {
    %c0_i32 = arith.constant 0 : i32
    %c0_i32_0 = arith.constant 0 : i32
    %c0_i32_1 = arith.constant 0 : i32
    return %c0_i32, %c0_i32_0 : i32, i32
  }
  func.func @transform_7(%arg0: i32) -> (i32, i32) {
    %c0_i32 = arith.constant 0 : i32
    %c0_i32_0 = arith.constant 0 : i32
    %c0_i32_1 = arith.constant 0 : i32
    return %c0_i32, %c0_i32_0 : i32, i32
  }
  func.func @transform_8(%arg0: i32) -> (i32, i32) {
    %c0_i32 = arith.constant 0 : i32
    %c0_i32_0 = arith.constant 0 : i32
    %c0_i32_1 = arith.constant 0 : i32
    return %c0_i32, %c0_i32_0 : i32, i32
  }
}

</mosaic_0001>

<sc_bundles>
// kernel: kernel.11.cloned.1.call-start
scs
__scs_entry_jumppad:
0x0: {  	(pc) =	sbr.rel $0x88, $3  }
0x1: {  	(tag) =	ssettag $0x0;
	lr =	simm.s32 $0x1  }
0x2: {  	[smem:$0x3F93] =	sst lr;
	_ =	strace $0xD0000000  }
0x3: {  	_ = 	snop  }
0x4: {  	_ = 	snop  }
0x5: {  	_ = 	snop  }
0x6: {  	_ = 	snop  }
0x7: {  	_ = 	snop  }
__scs_overlays_trampoline_lowered:
0x8: {  	[smem:$0x3FA2] =	sst s0  }
0x9: {  	[smem:$0x3FA3] =	sst s1  }
0xa: {  	[smem:$0x3FA4] =	sst s2  }
0xb: {  	[smem:$0x3FA5] =	sst s3  }
0xc: {  	[smem:$0x3FA6] =	sst s4  }
0xd: {  	[smem:$0x3FA7] =	sst s5  }
0xe: {  	[smem:$0x3FA8] =	sst s6  }
0xf: {  	[smem:$0x3FA9] =	sst s7  }
0x10: {  	[smem:$0x3FAA] =	sst s8  }
0x11: {  	[smem:$0x3FAB] =	sst s9;
	s0 =	simm.s32 @!p0 $0x0  }
0x12: {  	s1 =	sld [smem:$0x3F91];
	s0 =	simm.s32 @p0 $0x1  }
0x13: {  	[smem:$0x3FAC] =	sst s0;
	s0 =	simm.s32 @!p1 $0x0  }
0x14: {  	s2 =	sld [smem:$0x3F90];
	s0 =	simm.s32 @p1 $0x1  }
0x15: {  	[smem:$0x3FAD] =	sst s0;
	s0 =	simm.s32 @!p2 $0x0  }
0x16: {  	s3 =	sld [smem:$0x3FDB];
	s0 =	simm.s32 @p2 $0x1  }
0x17: {  	s4 =	simm.s32 $0x1BF5;
	[smem:$0x3FAF] =	sst s0  }
0x18: {  	s0 =	sld [smem:$0x3F92];
	_ =	swait.ge [sflag:s4], $0x0  }
0x19: {  	s7 =	sld [smem:$0x3F93]  }
0x1a: {  	s8 =	sadd.s32 $0xFFFFE003, lr  }
0x1b: {  	s9 =	sadd.s32 $0xFFFFFEF7, lr;
	s5 =	simm.s32 $0xFFFFFFFF;
	p2 =	slt.u32 s8, $0xFFFFF086  }
0x1c: {  	p1 =	slt.u32 s9, $0xF7A;
	s5 =	simm.s32 @!p2 $0x0  }
0x1d: {  	s5 =	simm.s32 @p1 $0x1;
	p0 =	seq.s32 s7, s2  }
0x1e: {  	s7 =	smul.u32 @!p0 $0xF7A, s2;
	p2 =	seq.s32 @!p0 s5, $0x0  }
0x1f: {  	s9 =	smul.u32 $0xF7A, s1;
	s8 =	simm.s32 @!p0 $0x1BF5;
	p2 =	por !p2, p0  }
0x20: {  	[sflag:s8] =	ssyncset.s32 @!p0 $0xFFFFF086;
	s6 =	sadd.s32 @!p0 s3, s7;
	s7 =	simm.s32 @!p0 $0x108  }
0x21: {  	s3 =	sadd.s32 s3, s9;
	s6 =	sadd.s32 @!p0 $0x88, s6;
	s7 =	simm.s32 @p2 $0x1082  }
0x22: {  	[simem:s7], [sflag:s8] =	dma.local @!p0 [hbm:s6], $0xF7A  }
0x23: {  	s9 =	sor.u32 $0xD0000000, s2;
	s6 =	simm.s32 $0x108;
	_ =	swait.ge @!p0 [sflag:s8], $0x0  }
0x24: {  	s3 =	sadd.s32 $0x88, s3;
	s6 =	simm.s32 @!p1 $0x1082;
	[sflag:s4] =	ssyncset.s32 $0xFFFFF086  }
0x25: {  	[simem:s6], [sflag:s4] =	dma.local [hbm:s3], $0xF7A  }
0x26: {  	[smem:$0x3F93] =	sst s1;
	(tag) =	ssettag s2;
	_ =	strace s9  }
0x27: {  	s1 =	sld [smem:$0x3FA3]  }
0x28: {  	s2 =	sld [smem:$0x3FA4]  }
0x29: {  	s4 =	sld [smem:$0x3FA6]  }
0x2a: {  	p0 =	seq.s32 s5, $0x0;
	s5 =	sld [smem:$0x3FA7]  }
0x2b: {  	s6 =	sld [smem:$0x3FA8]  }
0x2c: {  	s7 =	sld [smem:$0x3FA9]  }
0x2d: {  	s3 =	simm.s32 $0x108;
	s8 =	sld [smem:$0x3FAA]  }
0x2e: {  	s3 =	simm.s32 @!p0 $0x1082;
	s9 =	sld [smem:$0x3FAB]  }
0x2f: {  	lr =	sadd.s32 s0, s3;
	s0 =	sld [smem:$0x3FA2]  }
0x30: {  	s3 =	sld [smem:$0x3FA5]  }
0x31: {  	[smem:$0x3FAE] =	sst s10  }
0x32: {  	s10 =	sld [smem:$0x3FAC];
	_ =	sdelay $0x3  }
0x33: {  	p0 =	seq.s32 s10, $0x1;
	s10 =	sld [smem:$0x3FAE];
	_ =	sdelay $0x3  }
0x34: {  	[smem:$0x3FAE] =	sst s10  }
0x35: {  	s10 =	sld [smem:$0x3FAD];
	_ =	sdelay $0x3  }
0x36: {  	p1 =	seq.s32 s10, $0x1;
	s10 =	sld [smem:$0x3FAE];
	_ =	sdelay $0x3  }
0x37: {  	[smem:$0x3FAE] =	sst s10  }
0x38: {  	s10 =	sld [smem:$0x3FAF]  }
0x39: {  	_ = 	snop;
	(pc) =	sbr.ind lr, $3  }
0x3a: {  	_ = 	snop  }
0x3b: {  	_ = 	snop  }
0x3c: {  	p2 =	seq.s32 s10, $0x1;
	s10 =	sld [smem:$0x3FAE]  }
0x3d: {  	_ =	shalt  }
0x3e: {  	_ =	shalt  }
0x3f: {  	_ =	shalt  }
0x40: {  	_ =	shalt  }
0x41: {  	_ =	shalt  }
0x42: {  	_ =	shalt  }
0x43: {  	_ =	shalt  }
0x44: {  	_ =	shalt  }
0x45: {  	_ =	shalt  }
0x46: {  	_ =	shalt  }
0x47: {  	_ =	shalt  }
0x48: {  	_ =	shalt  }
0x49: {  	_ =	shalt  }
0x4a: {  	_ =	shalt  }
0x4b: {  	_ =	shalt  }
0x4c: {  	_ =	shalt  }
0x4d: {  	_ =	shalt  }
0x4e: {  	_ =	shalt  }
0x4f: {  	_ =	shalt  }
0x50: {  	_ =	shalt  }
0x51: {  	_ =	shalt  }
0x52: {  	_ =	shalt  }
0x53: {  	_ =	shalt  }
0x54: {  	_ =	shalt  }
0x55: {  	_ =	shalt  }
0x56: {  	_ =	shalt  }
0x57: {  	_ =	shalt  }
0x58: {  	_ =	shalt  }
0x59: {  	_ =	shalt  }
0x5a: {  	_ =	shalt  }
0x5b: {  	_ =	shalt  }
0x5c: {  	_ =	shalt  }
0x5d: {  	_ =	shalt  }
0x5e: {  	_ =	shalt  }
0x5f: {  	_ =	shalt  }
0x60: {  	_ =	shalt  }
0x61: {  	_ =	shalt  }
0x62: {  	_ =	shalt  }
0x63: {  	_ =	shalt  }
0x64: {  	_ =	shalt  }
0x65: {  	_ =	shalt  }
0x66: {  	_ =	shalt  }
0x67: {  	_ =	shalt  }
0x68: {  	_ =	shalt  }
0x69: {  	_ =	shalt  }
0x6a: {  	_ =	shalt  }
0x6b: {  	_ =	shalt  }
0x6c: {  	_ =	shalt  }
0x6d: {  	_ =	shalt  }
0x6e: {  	_ =	shalt  }
0x6f: {  	_ =	shalt  }
0x70: {  	_ =	shalt  }
0x71: {  	_ =	shalt  }
0x72: {  	_ =	shalt  }
0x73: {  	_ =	shalt  }
0x74: {  	_ =	shalt  }
0x75: {  	_ =	shalt  }
0x76: {  	_ =	shalt  }
0x77: {  	_ =	shalt  }
0x78: {  	_ =	shalt  }
0x79: {  	_ =	shalt  }
0x7a: {  	_ =	shalt  }
0x7b: {  	_ =	shalt  }
0x7c: {  	_ =	shalt  }
0x7d: {  	_ =	shalt  }
0x7e: {  	_ =	shalt  }
0x7f: {  	_ =	shalt  }
0x80: {  	_ =	shalt  }
0x81: {  	_ =	shalt  }
0x82: {  	_ =	shalt  }
0x83: {  	_ =	shalt  }
0x84: {  	_ =	shalt  }
0x85: {  	_ =	shalt  }
0x86: {  	_ =	shalt  }
0x87: {  	_ =	shalt  }
.Lfunc_end0:
.L_simem_size_0:
called_computation.1_lowered:
.L_overlay_start_0:
0x88: {  	s2 =	sld [smem:$0x3FD9]  }
0x89: {  	s3 =	sld [smem:$0x3FFE];
	_ =	sdelay $0x1  }
0x8a: {  	s1 =	srdreg.scid  }
0x8b: {  	s0 =	sand.u32 $0x1, s1  }
0x8c: {  	s17 =	sshll.u32 s0, $0xA;
	s2 =	sadd.s32 s3, s2  }
0x8d: {  	s2 =	sadd.s32 s2, s17  }
0x8e: {  	[smem:$0x3FBA] =	sst s2  }
0x8f: {  	_ = 	snop  }
0x90: {  	s2 =	sld [smem:$0x3FC2];
	(tm) =	ssettm $0x1  }
0x91: {  	s18 =	sld [smem:$0x3FFB];
	_ =	sdelay $0x3  }
0x92: {  	_ =	strace s18  }
0x93: {  	s3 =	sld [smem:$0x3FFC];
	_ =	sdelay $0x3  }
0x94: {  	_ =	strace s3  }
0x95: {  	s3 =	sld [smem:$0x3FFD];
	_ =	sdelay $0x3  }
0x96: {  	_ =	strace s3  }
0x97: {  	_ =	strace $0x8FFFFFFF  }
0x98: {  	s19 =	sld [smem:$0x3FDB];
	_ =	sdelay $0x1  }
0x99: {  	s4 =	simm.s32 $_scs_section_size  }
0x9a: {  	s5 =	simm.s32 $_size__tile_overlayer_lowered;
	s6 =	simm.s32 $_tile_overlayer_lowered  }
0x9b: {  	s22 =	simm.s32 $0x1BFF;
	s21 =	sshll.u32 s6, $0x1;
	s3 =	sadd.s32 s4, s19  }
0x9c: {  	s7 =	simm.s32 $0x0;
	s20 =	sshll.u32 s5, $0x1;
	s5 =	sadd.s32 s21, s3  }
0x9d: {  	[timem:s7], [sflag:s22] =	dma.local [hbm:s5], s20  }
0x9e: {  	_ =	swait.ge [sflag:s22], s20  }
0x9f: {  	s4 =	ssub.s32 $0x0, s20;
	[sflag:s22] =	ssyncset.done $0x0  }
0xa0: {  	[sflag:s22] =	ssyncadd.s32 s4;
	_ =	sdelay $0x1  }
0xa1: {  	s23 =	simm.s32 $0x1B8B  }
0xa2: {  	_ =	swait.ge [sflag:s23], $0x1  }
0xa3: {  	[sflag:s23] =	ssyncset.done $0x0  }
0xa4: {  	s25 =	simm.s32 $0x1B8E;
	s24 =	sld [smem:$0x3FFE];
	[sflag:s23] =	ssyncadd.s32 $0xFFFFFFFF  }
0xa5: {  	s26 =	simm.s32 $execute0_lowered;
	[smem:$0x3FD2] =	sst s25  }
0xa6: {  	s5 =	sshll.u32 s26, $0x1;
	_ =	strace $0x80000046;
	[dreg:$0x1] =	wrdreg $0xFFFFFFFF  }
0xa7: {  	s28 =	simm.s32 $_size_execute0_lowered;
	s3 =	sadd.s32 s3, s5;
	[dreg:$0x0] =	wrdreg $0x0  }
0xa8: {  	s5 =	sshll.u32 s28, $0x1;
	[dreg:$0x2] =	wrdreg s3  }
0xa9: {  	[dreg:$0x3] =	wrdreg s5  }
0xaa: {  	[dreg:$0x4] =	wrdreg $0xC0  }
0xab: {  	_ =	task [dreg:s7], $0x5FFFF  }
0xac: {  	[dreg:$0x1] =	wrdreg $0xFFFFFFFF  }
0xad: {  	[dreg:$0x0] =	wrdreg $0x60  }
0xae: {  	[dreg:$0x2] =	wrdreg s2  }
0xaf: {  	[dreg:$0x3] =	wrdreg s24  }
0xb0: {  	[dreg:$0x4] =	wrdreg $0xA  }
0xb1: {  	_ =	task.clear_ibuf [dreg:s7], $0x5FFFF;
	_ =	strace $0x90000046  }
0xb2: {  	s29 =	simm.s32 $0xA;
	_ =	strace $0x80000048  }
0xb3: {  	_ =	swait.ge [sflag:s29], $0x1  }
0xb4: {  	[sflag:s29] =	ssyncadd.s32 $0xFFFFFFFF  }
0xb5: {  	_ =	strace $0x90000048  }
0xb6: {  	_ =	sfence  }
0xb7: {  	s30 =	sld [smem:$0x0];
	_ =	sdelay $0x2  }
0xb8: {  	s31 =	sshll.u32 s1, $0xD;
	s1 =	sshrl.u32 s1, $0x2  }
0xb9: {  	s3 =	sand.u32 $0x4000, s31;
	s1 =	sadd.s32 s1, s30  }
0xba: {  	s0 =	sor.u32 s3, s0;
	s1 =	sshll.u32 s1, $0x11  }
0xbb: {  	s0 =	sor.u32 s1, s0  }
0xbc: {  	s0 =	sadd.s32 $0x8F2B, s0  }
0xbd: {  	[sflag:s0] =	ssyncadd.remote.s32 $0x1  }
0xbe: {  	_ =	sfence.sel $0xFFFF  }
0xbf: {  	[dreg:$0x0] =	wrdreg $0xFFFFFFFF;
	(pc) =	sbr.abs _section_cstart, $3  }
0xc0: {  	[dreg:$0x1] =	wrdreg $0xFFFFFFFF  }
0xc1: {  	_ =	task.clear_ibuf [dreg:s7], $0x2FFFF;
	_ =	strace $0x9FFFFFFF  }
0xc2: {  	(tm) =	ssettm $0x7FFFFFFF  }
0xc3: {  	_ =	shalt  }
tec
execute0_lowered:
.L_overlay_start_1:
0x0: {  	(tag) =	ssettag $0x1  }
0x1: {  	s1 =	srdreg.scid;
	s2 =	rddreg [dreg:$0x0]  }
0x2: {  	s0 =	stileid.u32;
	s5 =	rddreg [dreg:$0x1];
	s15 =	simm.s32 $0x900  }
0x3: {  	s16 =	simm.s32 $0x1100;
	s17 =	simm.s32 $0x1900;
	s1 =	sand.u32 $0x1, s1  }
0x4: {  	s18 =	simm.s32 $0x2100;
	s3 =	sshll.u32 s0, $0x9;
	s4 =	sshll.u32 s1, $0x8  }
0x5: {  	s19 =	simm.s32 $0x2900;
	s4 =	sor.u32 s4, s3;
	s3 =	simm.s32 $0x0  }
0x6: {  	s20 =	simm.s32 $0x3100;
	s21 =	simm.s32 $0x3900;
	[smem:$0x7FF] =	sst s3  }
0x7: {  	s23 =	simm.s32 $0x4900;
	_ =	strace $0x80000047;
	[dreg:$0x8] =	wrdreg s15  }
0x8: {  	s24 =	simm.s32 $0x5100;
	s25 =	simm.s32 $0x5900;
	[dreg:$0x9] =	wrdreg s16  }
0x9: {  	s26 =	simm.s32 $0x6100;
	s7 =	simm.s32 $0x4100;
	[dreg:$0xa] =	wrdreg s17  }
0xa: {  	s9 =	simm.s32 $0x7100;
	s10 =	simm.s32 $0x7900;
	[dreg:$0xb] =	wrdreg s18  }
0xb: {  	s28 =	simm.s32 $0x1;
	s29 =	simm.s32 $0x2;
	[dreg:$0xc] =	wrdreg s19  }
0xc: {  	s30 =	simm.s32 $0x3;
	s1 =	ssub.s32 $0x2, s1;
	[dreg:$0xd] =	wrdreg s20  }
0xd: {  	s31 =	simm.s32 $0x4;
	s22 =	sshrl.u32 s1, $0x1;
	[dreg:$0xe] =	wrdreg s21  }
0xe: {  	s6 =	sshrl.u32 s4, $0x3;
	s4 =	sshll.u32 s4, $0x5;
	[dreg:$0xf] =	wrdreg s23  }
0xf: {  	s1 =	ssub.s32 s1, s22;
	s22 =	simm.s32 $0xD900;
	[dreg:$0x10] =	wrdreg s24  }
0x10: {  	s6 =	sadd.s32 s6, s5;
	s4 =	sadd.s32 s4, s5;
	[dreg:$0x11] =	wrdreg s25  }
0x11: {  	s5 =	simm.s32 $0x6;
	[dreg:$0x12] =	wrdreg s26;
	s15 =	simm.s32 $0xA100  }
0x12: {  	s16 =	simm.s32 $0xA900;
	s17 =	simm.s32 $0xB100;
	s18 =	simm.s32 $0xB900  }
0x13: {  	s19 =	simm.s32 $0xC100;
	s20 =	simm.s32 $0xC900;
	s11 =	sadd.s32 $0x2200, s6  }
0x14: {  	s21 =	simm.s32 $0xD100;
	s12 =	sadd.s32 $0x2600, s4;
	[dreg:$0x3] =	wrdreg s11  }
0x15: {  	s23 =	simm.s32 $0xE100;
	s13 =	sadd.s32 $0x2E00, s4;
	[dreg:$0x4] =	wrdreg s12  }
0x16: {  	s24 =	simm.s32 $0xE900;
	s14 =	sadd.s32 $0x3600, s4;
	[dreg:$0x5] =	wrdreg s13  }
0x17: {  	s25 =	simm.s32 $0xF100;
	s4 =	sadd.s32 $0x3E00, s4;
	[dreg:$0x6] =	wrdreg s14  }
0x18: {  	v2 =	vlaneseq.u32;
	s26 =	simm.s32 $0xF900;
	s6 =	simm.s32 $0x100;
	[dreg:$0x7] =	wrdreg s4  }
0x19: {  	vm0 =	vmmov $0xffff;
	v1 =	vshrl.u32 v2, $0x3;
	s4 =	smax.u32 s1, $0x1;
	s11 =	simm.s32 $0x8100;
	s12 =	simm.s32 $0x8900  }
0x1a: {  	v0 =	vand.u32 $0x7, v2;
	v2 =	vor.u32 $0x8, v2;
	v1 =	vmul.u32 $0x8, v1;
	s13 =	simm.s32 $0x9100;
	s14 =	simm.s32 $0x9900;
	s1 =	simm.s32 $0x5  }
.LBB2_1:
0x1b: {  	s0 =	rddreg [dreg:$0x3]  }
0x1c: {  	[tilespmem:s3], [sflag:$0x6] =	stream.linear.gather [hbm4b:s0+s3], $0x100, $0x38;
	[tilespmem:$0x10100] =	vst v63  }
0x1d: {  	_ =	swait.ge [sflag:s5], $0x100  }
0x1e: {  	[sflag:s5] =	ssyncset.done $0x0  }
0x1f: {  	[sflag:s5] =	ssyncadd.s32 $0xFFFFFF00  }
0x20: {  	v3 =	vld [tilespmem:$0x0];
	_ =	sdelay $0x4  }
0x21: {  	v4 =	vshll.u32 v3, $0x1  }
0x22: {  	v3 =	vand.u32 $0x7, v3;
	v4 =	vand.u32 $0xFFFFFFF0, v4  }
0x23: {  	v3 =	vor.u32 v3, v4  }
0x24: {  	v4 =	vperm.xlane v3, v0;
	_ =	sdelay $0x1  }
0x25: {  	v3 =	vperm.xlane v3, v2;
	v4 =	vadd.s32 v1, v4;
	_ =	sdelay $0x1  }
0x26: {  	v3 =	vadd.s32 v1, v3;
	_ =	sdelay $0x2  }
0x27: {  	[tilespmem:s6], [sflag:$0x1] =	stream.indirect_vreg.gather [hbm4b:s2+s3], $0x80, v4, vm0, $0xb8;
	[tilespmem:$0x10100] =	vst v63  }
0x28: {  	s8 =	rddreg [dreg:$0x8]  }
0x29: {  	[tilespmem:s8], [sflag:$0x1] =	stream.indirect_vreg.gather [hbm4b:s2+s3], $0x80, v3, vm0, $0xb8;
	[tilespmem:$0x10100] =	vst v63  }
0x2a: {  	v3 =	vld [tilespmem:$0x10];
	_ =	sdelay $0x4  }
0x2b: {  	v49 =	vshll.u32 v3, $0x1  }
0x2c: {  	v3 =	vand.u32 $0x7, v3;
	v4 =	vand.u32 $0xFFFFFFF0, v49  }
0x2d: {  	v3 =	vor.u32 v3, v4  }
0x2e: {  	v4 =	vperm.xlane v3, v0;
	_ =	sdelay $0x1  }
0x2f: {  	v3 =	vperm.xlane v3, v2;
	v4 =	vadd.s32 v1, v4;
	_ =	sdelay $0x1  }
0x30: {  	v3 =	vadd.s32 v1, v3;
	_ =	sdelay $0x1  }
0x31: {  	s0 =	rddreg [dreg:$0x9]  }
0x32: {  	[tilespmem:s0], [sflag:$0x1] =	stream.indirect_vreg.gather [hbm4b:s2+s3], $0x80, v4, vm0, $0xb8;
	[tilespmem:$0x10100] =	vst v63  }
0x33: {  	s8 =	rddreg [dreg:$0xa]  }
0x34: {  	[tilespmem:s8], [sflag:$0x1] =	stream.indirect_vreg.gather [hbm4b:s2+s3], $0x80, v3, vm0, $0xb8;
	[tilespmem:$0x10100] =	vst v63  }
0x35: {  	v3 =	vld [tilespmem:$0x20];
	_ =	sdelay $0x4  }
0x36: {  	v50 =	vshll.u32 v3, $0x1  }
0x37: {  	v3 =	vand.u32 $0x7, v3;
	v4 =	vand.u32 $0xFFFFFFF0, v50  }
0x38: {  	v3 =	vor.u32 v3, v4  }
0x39: {  	v4 =	vperm.xlane v3, v0;
	_ =	sdelay $0x1  }
0x3a: {  	v3 =	vperm.xlane v3, v2;
	v4 =	vadd.s32 v1, v4;
	_ =	sdelay $0x1  }
0x3b: {  	v3 =	vadd.s32 v1, v3;
	_ =	sdelay $0x1  }
0x3c: {  	s0 =	rddreg [dreg:$0xb]  }
0x3d: {  	[tilespmem:s0], [sflag:$0x1] =	stream.indirect_vreg.gather [hbm4b:s2+s3], $0x80, v4, vm0, $0xb8;
	[tilespmem:$0x10100] =	vst v63  }
0x3e: {  	s8 =	rddreg [dreg:$0xc]  }
0x3f: {  	[tilespmem:s8], [sflag:$0x1] =	stream.indirect_vreg.gather [hbm4b:s2+s3], $0x80, v3, vm0, $0xb8;
	[tilespmem:$0x10100] =	vst v63  }
0x40: {  	v3 =	vld [tilespmem:$0x30];
	_ =	sdelay $0x4  }
0x41: {  	v51 =	vshll.u32 v3, $0x1  }
0x42: {  	v3 =	vand.u32 $0x7, v3;
	v4 =	vand.u32 $0xFFFFFFF0, v51  }
0x43: {  	v3 =	vor.u32 v3, v4  }
0x44: {  	v4 =	vperm.xlane v3, v0;
	_ =	sdelay $0x1  }
0x45: {  	v3 =	vperm.xlane v3, v2;
	v4 =	vadd.s32 v1, v4;
	_ =	sdelay $0x1  }
0x46: {  	v3 =	vadd.s32 v1, v3;
	_ =	sdelay $0x1  }
0x47: {  	s0 =	rddreg [dreg:$0xd]  }
0x48: {  	[tilespmem:s0], [sflag:$0x1] =	stream.indirect_vreg.gather [hbm4b:s2+s3], $0x80, v4, vm0, $0xb8;
	[tilespmem:$0x10100] =	vst v63  }
0x49: {  	s8 =	rddreg [dreg:$0xe]  }
0x4a: {  	[tilespmem:s8], [sflag:$0x1] =	stream.indirect_vreg.gather [hbm4b:s2+s3], $0x80, v3, vm0, $0xb8;
	[tilespmem:$0x10100] =	vst v63  }
0x4b: {  	v3 =	vld [tilespmem:$0x40];
	_ =	sdelay $0x4  }
0x4c: {  	v52 =	vshll.u32 v3, $0x1  }
0x4d: {  	v3 =	vand.u32 $0x7, v3;
	v4 =	vand.u32 $0xFFFFFFF0, v52  }
0x4e: {  	v3 =	vor.u32 v3, v4  }
0x4f: {  	v4 =	vperm.xlane v3, v0;
	_ =	sdelay $0x1  }
0x50: {  	v3 =	vperm.xlane v3, v2;
	v4 =	vadd.s32 v1, v4;
	_ =	sdelay $0x1  }
0x51: {  	v3 =	vadd.s32 v1, v3;
	_ =	sdelay $0x2  }
0x52: {  	[tilespmem:s7], [sflag:$0x2] =	stream.indirect_vreg.gather [hbm4b:s2+s3], $0x80, v4, vm0, $0xb8;
	[tilespmem:$0x10100] =	vst v63  }
0x53: {  	s8 =	rddreg [dreg:$0xf]  }
0x54: {  	[tilespmem:s8], [sflag:$0x2] =	stream.indirect_vreg.gather [hbm4b:s2+s3], $0x80, v3, vm0, $0xb8;
	[tilespmem:$0x10100] =	vst v63  }
0x55: {  	v3 =	vld [tilespmem:$0x50];
	_ =	sdelay $0x4  }
0x56: {  	v53 =	vshll.u32 v3, $0x1  }
0x57: {  	v3 =	vand.u32 $0x7, v3;
	v4 =	vand.u32 $0xFFFFFFF0, v53  }
0x58: {  	v3 =	vor.u32 v3, v4  }
0x59: {  	v4 =	vperm.xlane v3, v0;
	_ =	sdelay $0x1  }
0x5a: {  	v3 =	vperm.xlane v3, v2;
	v4 =	vadd.s32 v1, v4;
	_ =	sdelay $0x1  }
0x5b: {  	v3 =	vadd.s32 v1, v3;
	_ =	sdelay $0x1  }
0x5c: {  	s0 =	rddreg [dreg:$0x10]  }
0x5d: {  	[tilespmem:s0], [sflag:$0x2] =	stream.indirect_vreg.gather [hbm4b:s2+s3], $0x80, v4, vm0, $0xb8;
	[tilespmem:$0x10100] =	vst v63  }
0x5e: {  	s8 =	rddreg [dreg:$0x11]  }
0x5f: {  	[tilespmem:s8], [sflag:$0x2] =	stream.indirect_vreg.gather [hbm4b:s2+s3], $0x80, v3, vm0, $0xb8;
	[tilespmem:$0x10100] =	vst v63  }
0x60: {  	v3 =	vld [tilespmem:$0x60];
	_ =	sdelay $0x4  }
0x61: {  	v54 =	vshll.u32 v3, $0x1  }
0x62: {  	v3 =	vand.u32 $0x7, v3;
	v4 =	vand.u32 $0xFFFFFFF0, v54  }
0x63: {  	v3 =	vor.u32 v3, v4  }
0x64: {  	v4 =	vperm.xlane v3, v0;
	_ =	sdelay $0x1  }
0x65: {  	v3 =	vperm.xlane v3, v2;
	v4 =	vadd.s32 v1, v4;
	_ =	sdelay $0x1  }
0x66: {  	v3 =	vadd.s32 v1, v3;
	_ =	sdelay $0x1  }
0x67: {  	s8 =	rddreg [dreg:$0x12]  }
0x68: {  	[tilespmem:s8], [sflag:$0x2] =	stream.indirect_vreg.gather [hbm4b:s2+s3], $0x80, v4, vm0, $0xb8;
	[tilespmem:$0x10100] =	vst v63  }
0x69: {  	s8 =	simm.s32 $0x6900  }
0x6a: {  	[tilespmem:s8], [sflag:$0x2] =	stream.indirect_vreg.gather [hbm4b:s2+s3], $0x80, v3, vm0, $0xb8;
	[tilespmem:$0x10100] =	vst v63  }
0x6b: {  	v3 =	vld [tilespmem:$0x70];
	_ =	sdelay $0x4  }
0x6c: {  	v55 =	vshll.u32 v3, $0x1  }
0x6d: {  	v3 =	vand.u32 $0x7, v3;
	v4 =	vand.u32 $0xFFFFFFF0, v55  }
0x6e: {  	v3 =	vor.u32 v3, v4  }
0x6f: {  	v4 =	vperm.xlane v3, v0;
	_ =	sdelay $0x1  }
0x70: {  	v3 =	vperm.xlane v3, v2;
	v4 =	vadd.s32 v1, v4;
	_ =	sdelay $0x1  }
0x71: {  	v3 =	vadd.s32 v1, v3;
	_ =	sdelay $0x2  }
0x72: {  	[tilespmem:s9], [sflag:$0x2] =	stream.indirect_vreg.gather [hbm4b:s2+s3], $0x80, v4, vm0, $0xb8;
	[tilespmem:$0x10100] =	vst v63  }
0x73: {  	_ = 	snop  }
0x74: {  	[tilespmem:s10], [sflag:$0x2] =	stream.indirect_vreg.gather [hbm4b:s2+s3], $0x80, v3, vm0, $0xb8;
	[tilespmem:$0x10100] =	vst v63  }
0x75: {  	v3 =	vld [tilespmem:$0x80];
	_ =	sdelay $0x4  }
0x76: {  	v56 =	vshll.u32 v3, $0x1  }
0x77: {  	v3 =	vand.u32 $0x7, v3;
	v4 =	vand.u32 $0xFFFFFFF0, v56  }
0x78: {  	v3 =	vor.u32 v3, v4  }
0x79: {  	v4 =	vperm.xlane v3, v0;
	_ =	sdelay $0x1  }
0x7a: {  	v3 =	vperm.xlane v3, v2;
	v4 =	vadd.s32 v1, v4;
	_ =	sdelay $0x1  }
0x7b: {  	v3 =	vadd.s32 v1, v3;
	_ =	sdelay $0x2  }
0x7c: {  	[tilespmem:s11], [sflag:$0x3] =	stream.indirect_vreg.gather [hbm4b:s2+s3], $0x80, v4, vm0, $0xb8;
	[tilespmem:$0x10100] =	vst v63  }
0x7d: {  	_ = 	snop  }
0x7e: {  	[tilespmem:s12], [sflag:$0x3] =	stream.indirect_vreg.gather [hbm4b:s2+s3], $0x80, v3, vm0, $0xb8;
	[tilespmem:$0x10100] =	vst v63  }
0x7f: {  	v3 =	vld [tilespmem:$0x90];
	_ =	sdelay $0x4  }
0x80: {  	v57 =	vshll.u32 v3, $0x1  }
0x81: {  	v3 =	vand.u32 $0x7, v3;
	v4 =	vand.u32 $0xFFFFFFF0, v57  }
0x82: {  	v3 =	vor.u32 v3, v4  }
0x83: {  	v4 =	vperm.xlane v3, v0;
	_ =	sdelay $0x1  }
0x84: {  	v3 =	vperm.xlane v3, v2;
	v4 =	vadd.s32 v1, v4;
	_ =	sdelay $0x1  }
0x85: {  	v3 =	vadd.s32 v1, v3;
	_ =	sdelay $0x2  }
0x86: {  	[tilespmem:s13], [sflag:$0x3] =	stream.indirect_vreg.gather [hbm4b:s2+s3], $0x80, v4, vm0, $0xb8;
	[tilespmem:$0x10100] =	vst v63  }
0x87: {  	_ = 	snop  }
0x88: {  	[tilespmem:s14], [sflag:$0x3] =	stream.indirect_vreg.gather [hbm4b:s2+s3], $0x80, v3, vm0, $0xb8;
	[tilespmem:$0x10100] =	vst v63  }
0x89: {  	v3 =	vld [tilespmem:$0xA0];
	_ =	sdelay $0x4  }
0x8a: {  	v58 =	vshll.u32 v3, $0x1  }
0x8b: {  	v3 =	vand.u32 $0x7, v3;
	v4 =	vand.u32 $0xFFFFFFF0, v58  }
0x8c: {  	v3 =	vor.u32 v3, v4  }
0x8d: {  	v4 =	vperm.xlane v3, v0;
	_ =	sdelay $0x1  }
0x8e: {  	v3 =	vperm.xlane v3, v2;
	v4 =	vadd.s32 v1, v4;
	_ =	sdelay $0x1  }
0x8f: {  	v3 =	vadd.s32 v1, v3;
	_ =	sdelay $0x2  }
0x90: {  	[tilespmem:s15], [sflag:$0x3] =	stream.indirect_vreg.gather [hbm4b:s2+s3], $0x80, v4, vm0, $0xb8;
	[tilespmem:$0x10100] =	vst v63  }
0x91: {  	_ = 	snop  }
0x92: {  	[tilespmem:s16], [sflag:$0x3] =	stream.indirect_vreg.gather [hbm4b:s2+s3], $0x80, v3, vm0, $0xb8;
	[tilespmem:$0x10100] =	vst v63  }
0x93: {  	v3 =	vld [tilespmem:$0xB0];
	_ =	sdelay $0x4  }
0x94: {  	v59 =	vshll.u32 v3, $0x1  }
0x95: {  	v3 =	vand.u32 $0x7, v3;
	v4 =	vand.u32 $0xFFFFFFF0, v59  }
0x96: {  	v3 =	vor.u32 v3, v4  }
0x97: {  	v4 =	vperm.xlane v3, v0;
	_ =	sdelay $0x1  }
0x98: {  	v3 =	vperm.xlane v3, v2;
	v4 =	vadd.s32 v1, v4;
	_ =	sdelay $0x1  }
0x99: {  	v3 =	vadd.s32 v1, v3;
	_ =	sdelay $0x2  }
0x9a: {  	[tilespmem:s17], [sflag:$0x3] =	stream.indirect_vreg.gather [hbm4b:s2+s3], $0x80, v4, vm0, $0xb8;
	[tilespmem:$0x10100] =	vst v63  }
0x9b: {  	_ = 	snop  }
0x9c: {  	[tilespmem:s18], [sflag:$0x3] =	stream.indirect_vreg.gather [hbm4b:s2+s3], $0x80, v3, vm0, $0xb8;
	[tilespmem:$0x10100] =	vst v63  }
0x9d: {  	v3 =	vld [tilespmem:$0xC0];
	_ =	sdelay $0x4  }
0x9e: {  	v60 =	vshll.u32 v3, $0x1  }
0x9f: {  	v3 =	vand.u32 $0x7, v3;
	v4 =	vand.u32 $0xFFFFFFF0, v60  }
0xa0: {  	v3 =	vor.u32 v3, v4  }
0xa1: {  	v4 =	vperm.xlane v3, v0;
	_ =	sdelay $0x1  }
0xa2: {  	v3 =	vperm.xlane v3, v2;
	v4 =	vadd.s32 v1, v4;
	_ =	sdelay $0x1  }
0xa3: {  	v3 =	vadd.s32 v1, v3;
	_ =	sdelay $0x2  }
0xa4: {  	[tilespmem:s19], [sflag:$0x4] =	stream.indirect_vreg.gather [hbm4b:s2+s3], $0x80, v4, vm0, $0xb8;
	[tilespmem:$0x10100] =	vst v63  }
0xa5: {  	_ = 	snop  }
0xa6: {  	[tilespmem:s20], [sflag:$0x4] =	stream.indirect_vreg.gather [hbm4b:s2+s3], $0x80, v3, vm0, $0xb8;
	[tilespmem:$0x10100] =	vst v63  }
0xa7: {  	v3 =	vld [tilespmem:$0xD0];
	_ =	sdelay $0x4  }
0xa8: {  	v61 =	vshll.u32 v3, $0x1  }
0xa9: {  	v3 =	vand.u32 $0x7, v3;
	v4 =	vand.u32 $0xFFFFFFF0, v61  }
0xaa: {  	v3 =	vor.u32 v3, v4  }
0xab: {  	v4 =	vperm.xlane v3, v0;
	_ =	sdelay $0x1  }
0xac: {  	v3 =	vperm.xlane v3, v2;
	v4 =	vadd.s32 v1, v4;
	_ =	sdelay $0x1  }
0xad: {  	v3 =	vadd.s32 v1, v3;
	_ =	sdelay $0x2  }
0xae: {  	[tilespmem:s21], [sflag:$0x4] =	stream.indirect_vreg.gather [hbm4b:s2+s3], $0x80, v4, vm0, $0xb8;
	[tilespmem:$0x10100] =	vst v63  }
0xaf: {  	_ = 	snop  }
0xb0: {  	[tilespmem:s22], [sflag:$0x4] =	stream.indirect_vreg.gather [hbm4b:s2+s3], $0x80, v3, vm0, $0xb8;
	[tilespmem:$0x10100] =	vst v63  }
0xb1: {  	v3 =	vld [tilespmem:$0xE0];
	_ =	sdelay $0x4  }
0xb2: {  	v62 =	vshll.u32 v3, $0x1  }
0xb3: {  	v3 =	vand.u32 $0x7, v3;
	v4 =	vand.u32 $0xFFFFFFF0, v62  }
0xb4: {  	v3 =	vor.u32 v3, v4  }
0xb5: {  	v4 =	vperm.xlane v3, v0;
	_ =	sdelay $0x1  }
0xb6: {  	v3 =	vperm.xlane v3, v2;
	v4 =	vadd.s32 v1, v4;
	_ =	sdelay $0x1  }
0xb7: {  	v3 =	vadd.s32 v1, v3;
	_ =	sdelay $0x2  }
0xb8: {  	[tilespmem:s23], [sflag:$0x4] =	stream.indirect_vreg.gather [hbm4b:s2+s3], $0x80, v4, vm0, $0xb8;
	[tilespmem:$0x10100] =	vst v63  }
0xb9: {  	_ = 	snop  }
0xba: {  	[tilespmem:s24], [sflag:$0x4] =	stream.indirect_vreg.gather [hbm4b:s2+s3], $0x80, v3, vm0, $0xb8;
	[tilespmem:$0x10100] =	vst v63  }
0xbb: {  	v3 =	vld [tilespmem:$0xF0];
	_ =	sdelay $0x4  }
0xbc: {  	v63 =	vshll.u32 v3, $0x1  }
0xbd: {  	v3 =	vand.u32 $0x7, v3;
	v4 =	vand.u32 $0xFFFFFFF0, v63  }
0xbe: {  	v3 =	vor.u32 v3, v4  }
0xbf: {  	v4 =	vperm.xlane v3, v0;
	_ =	sdelay $0x1  }
0xc0: {  	v3 =	vperm.xlane v3, v2;
	v4 =	vadd.s32 v1, v4;
	_ =	sdelay $0x1  }
0xc1: {  	v3 =	vadd.s32 v1, v3;
	_ =	sdelay $0x2  }
0xc2: {  	[tilespmem:s25], [sflag:$0x4] =	stream.indirect_vreg.gather [hbm4b:s2+s3], $0x80, v4, vm0, $0xb8;
	[tilespmem:$0x10100] =	vst v63  }
0xc3: {  	_ = 	snop  }
0xc4: {  	[tilespmem:s26], [sflag:$0x4] =	stream.indirect_vreg.gather [hbm4b:s2+s3], $0x80, v3, vm0, $0xb8;
	[tilespmem:$0x10100] =	vst v63  }
0xc5: {  	_ =	swait.ge [sflag:s28], $0x4000  }
0xc6: {  	[sflag:s28] =	ssyncset.done $0x0  }
0xc7: {  	s8 =	rddreg [dreg:$0x4];
	[sflag:s28] =	ssyncadd.s32 $0xFFFFC000  }
0xc8: {  	[hbm4b:s8+s3] =	stream.linear.scatter [tilespmem:s6], [sflag:$0x5], $0x4000, $0x38;
	[tilespmem:$0x10100] =	vst v63  }
0xc9: {  	_ =	swait.ge [sflag:s29], $0x4000  }
0xca: {  	[sflag:s29] =	ssyncset.done $0x0  }
0xcb: {  	s8 =	rddreg [dreg:$0x5];
	[sflag:s29] =	ssyncadd.s32 $0xFFFFC000  }
0xcc: {  	[hbm4b:s8+s3] =	stream.linear.scatter [tilespmem:s7], [sflag:$0x5], $0x4000, $0x38;
	[tilespmem:$0x10100] =	vst v63  }
0xcd: {  	_ =	swait.ge [sflag:s30], $0x4000  }
0xce: {  	[sflag:s30] =	ssyncset.done $0x0  }
0xcf: {  	s8 =	rddreg [dreg:$0x6];
	[sflag:s30] =	ssyncadd.s32 $0xFFFFC000  }
0xd0: {  	[hbm4b:s8+s3] =	stream.linear.scatter [tilespmem:s11], [sflag:$0x5], $0x4000, $0x38;
	[tilespmem:$0x10100] =	vst v63  }
0xd1: {  	_ =	swait.ge [sflag:s31], $0x4000  }
0xd2: {  	[sflag:s31] =	ssyncset.done $0x0  }
0xd3: {  	s8 =	rddreg [dreg:$0x7];
	[sflag:s31] =	ssyncadd.s32 $0xFFFFC000  }
0xd4: {  	[hbm4b:s8+s3] =	stream.linear.scatter [tilespmem:s19], [sflag:$0x5], $0x4000, $0x38;
	[tilespmem:$0x10100] =	vst v63  }
0xd5: {  	_ =	swait.ge [sflag:s1], $0x4000  }
0xd6: {  	[sflag:s1] =	ssyncset.done $0x0  }
0xd7: {  	[sflag:s1] =	ssyncadd.s32 $0xFFFFC000  }
0xd8: {  	_ =	swait.ge [sflag:s1], $0x4000  }
0xd9: {  	[sflag:s1] =	ssyncset.done $0x0  }
0xda: {  	[sflag:s1] =	ssyncadd.s32 $0xFFFFC000  }
0xdb: {  	p0 =	sne.s32 s4, $0x1;
	_ =	swait.ge [sflag:s1], $0x4000  }
.Ltmp0:
0xdc: {  	[sflag:s1] =	ssyncset.done $0x0;
	(pc) =	sbr.rel @p0 .LBB2_1-.Ltmp0, $4  }
0xdd: {  	[sflag:s1] =	ssyncadd.s32 $0xFFFFC000  }
0xde: {  	_ =	swait.ge [sflag:s1], $0x4000  }
0xdf: {  	[sflag:s1] =	ssyncset.done $0x0  }
0xe0: {  	s4 =	sadd.s32 $0xFFFFFFFF, s4;
	[sflag:s1] =	ssyncadd.s32 $0xFFFFC000  }
0xe1: {  	_ =	sfence.sel $0x180000  }
0xe2: {  	[bflag:$0x0] =	sbarrier.arrive $0xFFFF  }
0xe3: {  	_ =	strace $0x90000047  }
0xe4: {  	s0 =	stileid.u32;
	[bflag:$0x2] =	sbarrier.arrive $0xFFFF  }
0xe5: {  	p0 =	sne.s32 s0, $0x0;
	s0 =	rddreg [dreg:$0x2]  }
0xe6: {  	s0 =	sadd.s32 @!p0 $0x100000, s0  }
0xe7: {  	[sflag:s0] =	ssyncadd.tile.s32 @!p0 $0x1;
	_ =	shalt  }
.Lfunc_end2:
_tile_overlayer_lowered:
.L_overlay_start_2:
0xe8: {  	(tag) =	ssettag $0x2  }
0xe9: {  	s0 =	rddreg [dreg:$0x0];
	s2 =	stileid.u32  }
0xea: {  	s1 =	rddreg [dreg:$0x1];
	p0 =	sne.s32 s2, $0x0  }
0xeb: {  	s3 =	rddreg [dreg:$0x2];
	[bflag:$0x3] =	sbarrier.arrive $0xFFFF;
	s2 =	simm.s32 @!p0 $0x1C06  }
0xec: {  	[timem:s3], [sflag:s2] =	dma.local @!p0 [hbm:s0], s1  }
0xed: {  	s0 =	simm.s32 @!p0 $0x6  }
0xee: {  	_ =	swait.ge @!p0 [sflag:s0], s1  }
0xef: {  	s1 =	ssub.s32 @!p0 $0x0, s1;
	[sflag:s0] =	ssyncset.done @!p0 $0x0  }
0xf0: {  	[sflag:s0] =	ssyncadd.s32 @!p0 s1  }
0xf1: {  	[bflag:$0x3] =	sbarrier.arrive $0xFFFF  }
0xf2: {  	_ =	shalt  }

// kernel: kernel.8.cloned.1.call-start
scs
__scs_entry_jumppad:
0x0: {  	(pc) =	sbr.rel $0x88, $3  }
0x1: {  	(tag) =	ssettag $0x0;
	lr =	simm.s32 $0x1  }
0x2: {  	[smem:$0x3F93] =	sst lr;
	_ =	strace $0xD0000000  }
0x3: {  	_ = 	snop  }
0x4: {  	_ = 	snop  }
0x5: {  	_ = 	snop  }
0x6: {  	_ = 	snop  }
0x7: {  	_ = 	snop  }
__scs_overlays_trampoline_lowered:
0x8: {  	[smem:$0x3FA2] =	sst s0  }
0x9: {  	[smem:$0x3FA3] =	sst s1  }
0xa: {  	[smem:$0x3FA4] =	sst s2  }
0xb: {  	[smem:$0x3FA5] =	sst s3  }
0xc: {  	[smem:$0x3FA6] =	sst s4  }
0xd: {  	[smem:$0x3FA7] =	sst s5  }
0xe: {  	[smem:$0x3FA8] =	sst s6  }
0xf: {  	[smem:$0x3FA9] =	sst s7  }
0x10: {  	[smem:$0x3FAA] =	sst s8  }
0x11: {  	[smem:$0x3FAB] =	sst s9;
	s0 =	simm.s32 @!p0 $0x0  }
0x12: {  	s1 =	sld [smem:$0x3F91];
	s0 =	simm.s32 @p0 $0x1  }
0x13: {  	[smem:$0x3FAC] =	sst s0;
	s0 =	simm.s32 @!p1 $0x0  }
0x14: {  	s2 =	sld [smem:$0x3F90];
	s0 =	simm.s32 @p1 $0x1  }
0x15: {  	[smem:$0x3FAD] =	sst s0;
	s0 =	simm.s32 @!p2 $0x0  }
0x16: {  	s3 =	sld [smem:$0x3FDB];
	s0 =	simm.s32 @p2 $0x1  }
0x17: {  	s4 =	simm.s32 $0x1BF5;
	[smem:$0x3FAF] =	sst s0  }
0x18: {  	s0 =	sld [smem:$0x3F92];
	_ =	swait.ge [sflag:s4], $0x0  }
0x19: {  	s7 =	sld [smem:$0x3F93]  }
0x1a: {  	s8 =	sadd.s32 $0xFFFFE003, lr  }
0x1b: {  	s9 =	sadd.s32 $0xFFFFFEF7, lr;
	s5 =	simm.s32 $0xFFFFFFFF;
	p2 =	slt.u32 s8, $0xFFFFF086  }
0x1c: {  	p1 =	slt.u32 s9, $0xF7A;
	s5 =	simm.s32 @!p2 $0x0  }
0x1d: {  	s5 =	simm.s32 @p1 $0x1;
	p0 =	seq.s32 s7, s2  }
0x1e: {  	s7 =	smul.u32 @!p0 $0xF7A, s2;
	p2 =	seq.s32 @!p0 s5, $0x0  }
0x1f: {  	s9 =	smul.u32 $0xF7A, s1;
	s8 =	simm.s32 @!p0 $0x1BF5;
	p2 =	por !p2, p0  }
0x20: {  	[sflag:s8] =	ssyncset.s32 @!p0 $0xFFFFF086;
	s6 =	sadd.s32 @!p0 s3, s7;
	s7 =	simm.s32 @!p0 $0x108  }
0x21: {  	s3 =	sadd.s32 s3, s9;
	s6 =	sadd.s32 @!p0 $0x88, s6;
	s7 =	simm.s32 @p2 $0x1082  }
0x22: {  	[simem:s7], [sflag:s8] =	dma.local @!p0 [hbm:s6], $0xF7A  }
0x23: {  	s9 =	sor.u32 $0xD0000000, s2;
	s6 =	simm.s32 $0x108;
	_ =	swait.ge @!p0 [sflag:s8], $0x0  }
0x24: {  	s3 =	sadd.s32 $0x88, s3;
	s6 =	simm.s32 @!p1 $0x1082;
	[sflag:s4] =	ssyncset.s32 $0xFFFFF086  }
0x25: {  	[simem:s6], [sflag:s4] =	dma.local [hbm:s3], $0xF7A  }
0x26: {  	[smem:$0x3F93] =	sst s1;
	(tag) =	ssettag s2;
	_ =	strace s9  }
0x27: {  	s1 =	sld [smem:$0x3FA3]  }
0x28: {  	s2 =	sld [smem:$0x3FA4]  }
0x29: {  	s4 =	sld [smem:$0x3FA6]  }
0x2a: {  	p0 =	seq.s32 s5, $0x0;
	s5 =	sld [smem:$0x3FA7]  }
0x2b: {  	s6 =	sld [smem:$0x3FA8]  }
0x2c: {  	s7 =	sld [smem:$0x3FA9]  }
0x2d: {  	s3 =	simm.s32 $0x108;
	s8 =	sld [smem:$0x3FAA]  }
0x2e: {  	s3 =	simm.s32 @!p0 $0x1082;
	s9 =	sld [smem:$0x3FAB]  }
0x2f: {  	lr =	sadd.s32 s0, s3;
	s0 =	sld [smem:$0x3FA2]  }
0x30: {  	s3 =	sld [smem:$0x3FA5]  }
0x31: {  	[smem:$0x3FAE] =	sst s10  }
0x32: {  	s10 =	sld [smem:$0x3FAC];
	_ =	sdelay $0x3  }
0x33: {  	p0 =	seq.s32 s10, $0x1;
	s10 =	sld [smem:$0x3FAE];
	_ =	sdelay $0x3  }
0x34: {  	[smem:$0x3FAE] =	sst s10  }
0x35: {  	s10 =	sld [smem:$0x3FAD];
	_ =	sdelay $0x3  }
0x36: {  	p1 =	seq.s32 s10, $0x1;
	s10 =	sld [smem:$0x3FAE];
	_ =	sdelay $0x3  }
0x37: {  	[smem:$0x3FAE] =	sst s10  }
0x38: {  	s10 =	sld [smem:$0x3FAF]  }
0x39: {  	_ = 	snop;
	(pc) =	sbr.ind lr, $3  }
0x3a: {  	_ = 	snop  }
0x3b: {  	_ = 	snop  }
0x3c: {  	p2 =	seq.s32 s10, $0x1;
	s10 =	sld [smem:$0x3FAE]  }
0x3d: {  	_ =	shalt  }
0x3e: {  	_ =	shalt  }
0x3f: {  	_ =	shalt  }
0x40: {  	_ =	shalt  }
0x41: {  	_ =	shalt  }
0x42: {  	_ =	shalt  }
0x43: {  	_ =	shalt  }
0x44: {  	_ =	shalt  }
0x45: {  	_ =	shalt  }
0x46: {  	_ =	shalt  }
0x47: {  	_ =	shalt  }
0x48: {  	_ =	shalt  }
0x49: {  	_ =	shalt  }
0x4a: {  	_ =	shalt  }
0x4b: {  	_ =	shalt  }
0x4c: {  	_ =	shalt  }
0x4d: {  	_ =	shalt  }
0x4e: {  	_ =	shalt  }
0x4f: {  	_ =	shalt  }
0x50: {  	_ =	shalt  }
0x51: {  	_ =	shalt  }
0x52: {  	_ =	shalt  }
0x53: {  	_ =	shalt  }
0x54: {  	_ =	shalt  }
0x55: {  	_ =	shalt  }
0x56: {  	_ =	shalt  }
0x57: {  	_ =	shalt  }
0x58: {  	_ =	shalt  }
0x59: {  	_ =	shalt  }
0x5a: {  	_ =	shalt  }
0x5b: {  	_ =	shalt  }
0x5c: {  	_ =	shalt  }
0x5d: {  	_ =	shalt  }
0x5e: {  	_ =	shalt  }
0x5f: {  	_ =	shalt  }
0x60: {  	_ =	shalt  }
0x61: {  	_ =	shalt  }
0x62: {  	_ =	shalt  }
0x63: {  	_ =	shalt  }
0x64: {  	_ =	shalt  }
0x65: {  	_ =	shalt  }
0x66: {  	_ =	shalt  }
0x67: {  	_ =	shalt  }
0x68: {  	_ =	shalt  }
0x69: {  	_ =	shalt  }
0x6a: {  	_ =	shalt  }
0x6b: {  	_ =	shalt  }
0x6c: {  	_ =	shalt  }
0x6d: {  	_ =	shalt  }
0x6e: {  	_ =	shalt  }
0x6f: {  	_ =	shalt  }
0x70: {  	_ =	shalt  }
0x71: {  	_ =	shalt  }
0x72: {  	_ =	shalt  }
0x73: {  	_ =	shalt  }
0x74: {  	_ =	shalt  }
0x75: {  	_ =	shalt  }
0x76: {  	_ =	shalt  }
0x77: {  	_ =	shalt  }
0x78: {  	_ =	shalt  }
0x79: {  	_ =	shalt  }
0x7a: {  	_ =	shalt  }
0x7b: {  	_ =	shalt  }
0x7c: {  	_ =	shalt  }
0x7d: {  	_ =	shalt  }
0x7e: {  	_ =	shalt  }
0x7f: {  	_ =	shalt  }
0x80: {  	_ =	shalt  }
0x81: {  	_ =	shalt  }
0x82: {  	_ =	shalt  }
0x83: {  	_ =	shalt  }
0x84: {  	_ =	shalt  }
0x85: {  	_ =	shalt  }
0x86: {  	_ =	shalt  }
0x87: {  	_ =	shalt  }
.Lfunc_end0:
.L_simem_size_0:
called_computation_lowered:
.L_overlay_start_0:
0x88: {  	s2 =	sld [smem:$0x3FD9]  }
0x89: {  	s3 =	sld [smem:$0x3FFE];
	_ =	sdelay $0x1  }
0x8a: {  	s1 =	srdreg.scid  }
0x8b: {  	s0 =	sand.u32 $0x1, s1  }
0x8c: {  	s17 =	sshll.u32 s0, $0xA;
	s2 =	sadd.s32 s3, s2  }
0x8d: {  	s2 =	sadd.s32 s2, s17  }
0x8e: {  	[smem:$0x3FBA] =	sst s2  }
0x8f: {  	_ = 	snop  }
0x90: {  	s18 =	sld [smem:$0x3FC2];
	(tm) =	ssettm $0x1  }
0x91: {  	s19 =	sld [smem:$0x3FFB];
	_ =	sdelay $0x3  }
0x92: {  	_ =	strace s19  }
0x93: {  	s2 =	sld [smem:$0x3FFC];
	_ =	sdelay $0x3  }
0x94: {  	_ =	strace s2  }
0x95: {  	s2 =	sld [smem:$0x3FFD];
	_ =	sdelay $0x3  }
0x96: {  	_ =	strace s2  }
0x97: {  	_ =	strace $0x8FFFFFFF  }
0x98: {  	s20 =	sld [smem:$0x3FDB];
	_ =	sdelay $0x1  }
0x99: {  	s4 =	simm.s32 $_scs_section_size  }
0x9a: {  	s5 =	simm.s32 $_size__tile_overlayer_lowered;
	s6 =	simm.s32 $_tile_overlayer_lowered  }
0x9b: {  	s7 =	simm.s32 $0x1BFF;
	s21 =	sshll.u32 s6, $0x1;
	s4 =	sadd.s32 s4, s20  }
0x9c: {  	s22 =	simm.s32 $0x0;
	s5 =	sshll.u32 s5, $0x1;
	s6 =	sadd.s32 s21, s4  }
0x9d: {  	[timem:s22], [sflag:s7] =	dma.local [hbm:s6], s5  }
0x9e: {  	_ =	swait.ge [sflag:s7], s5  }
0x9f: {  	s5 =	ssub.s32 $0x0, s5;
	[sflag:s7] =	ssyncset.done $0x0  }
0xa0: {  	[sflag:s7] =	ssyncadd.s32 s5;
	_ =	sdelay $0x1  }
0xa1: {  	s23 =	simm.s32 $0x1B8B  }
0xa2: {  	_ =	swait.ge [sflag:s23], $0x1  }
0xa3: {  	[sflag:s23] =	ssyncset.done $0x0  }
0xa4: {  	[sflag:s23] =	ssyncadd.s32 $0xFFFFFFFF  }
0xa5: {  	s5 =	sld [smem:$0x0]  }
0xa6: {  	s6 =	sand.u32 $0xFFFFFFFE, s1  }
0xa7: {  	p0 =	sne.s32 s1, s6  }
0xa8: {  	s6 =	sshll.u32 @p0 s6, $0xE  }
0xa9: {  	s6 =	sadd.s32 @p0 $0x11B8D, s6;
	s7 =	sshll.u32 @p0 s5, $0x11  }
0xaa: {  	s6 =	sor.u32 @p0 s7, s6  }
0xab: {  	[sflag:s6] =	ssyncadd.remote.s32 @p0 $0x1;
	_ =	sdelay $0x1  }
0xac: {  	s6 =	simm.s32 @p0 $0x1B8D  }
0xad: {  	_ =	swait.eq @p0 [sflag:s6], $0x1  }
0xae: {  	[sflag:s6] =	ssyncadd.s32 @p0 $0xFFFFFFFF  }
0xaf: {  	s7 =	sshll.u32 @!p0 s1, $0xE  }
0xb0: {  	s7 =	sor.u32 @!p0 $0x4000, s7;
	s6 =	simm.s32 @!p0 $0x1B8D  }
0xb1: {  	s5 =	sshll.u32 @!p0 s5, $0x11;
	s7 =	sadd.s32 @!p0 $0x11B8D, s7;
	_ =	swait.eq @!p0 [sflag:s6], $0x1  }
0xb2: {  	s5 =	sor.u32 @!p0 s5, s7;
	[sflag:s6] =	ssyncadd.s32 @!p0 $0xFFFFFFFF  }
0xb3: {  	s25 =	simm.s32 $0x1B8E;
	s24 =	sld [smem:$0x3FFE];
	[sflag:s5] =	ssyncadd.remote.s32 @!p0 $0x1  }
0xb4: {  	s26 =	simm.s32 $execute0_lowered;
	[smem:$0x3FD2] =	sst s25  }
0xb5: {  	s6 =	sshll.u32 s26, $0x1;
	_ =	strace $0x80000049;
	[dreg:$0x1] =	wrdreg $0xFFFFFFFF  }
0xb6: {  	s28 =	simm.s32 $_size_execute0_lowered;
	s4 =	sadd.s32 s4, s6;
	[dreg:$0x0] =	wrdreg $0x0  }
0xb7: {  	s6 =	sshll.u32 s28, $0x1;
	[dreg:$0x2] =	wrdreg s4  }
0xb8: {  	[dreg:$0x3] =	wrdreg s6  }
0xb9: {  	[dreg:$0x4] =	wrdreg $0xC0  }
0xba: {  	_ =	task [dreg:s22], $0x5FFFF  }
0xbb: {  	[dreg:$0x1] =	wrdreg $0xFFFFFFFF  }
0xbc: {  	[dreg:$0x0] =	wrdreg $0x60  }
0xbd: {  	[dreg:$0x2] =	wrdreg s18  }
0xbe: {  	[dreg:$0x3] =	wrdreg s24  }
0xbf: {  	[dreg:$0x4] =	wrdreg $0x9  }
0xc0: {  	_ =	task.clear_ibuf [dreg:s22], $0x5FFFF;
	_ =	strace $0x90000049  }
0xc1: {  	s29 =	simm.s32 $0x9;
	_ =	strace $0x8000004B  }
0xc2: {  	_ =	swait.ge [sflag:s29], $0x1  }
0xc3: {  	[sflag:s29] =	ssyncadd.s32 $0xFFFFFFFF  }
0xc4: {  	_ =	strace $0x9000004B  }
0xc5: {  	_ =	sfence  }
0xc6: {  	s30 =	sld [smem:$0x0];
	_ =	sdelay $0x2  }
0xc7: {  	s31 =	sshll.u32 s1, $0xD;
	s1 =	sshrl.u32 s1, $0x2  }
0xc8: {  	s4 =	sand.u32 $0x4000, s31;
	s1 =	sadd.s32 s1, s30  }
0xc9: {  	s0 =	sor.u32 s4, s0;
	s1 =	sshll.u32 s1, $0x11  }
0xca: {  	s0 =	sor.u32 s1, s0  }
0xcb: {  	s0 =	sadd.s32 $0x8F2B, s0  }
0xcc: {  	[sflag:s0] =	ssyncadd.remote.s32 $0x1  }
0xcd: {  	_ =	sfence.sel $0xFFFF  }
0xce: {  	[dreg:$0x0] =	wrdreg $0xFFFFFFFF;
	(pc) =	sbr.abs _section_cstart, $3  }
0xcf: {  	[dreg:$0x1] =	wrdreg $0xFFFFFFFF  }
0xd0: {  	_ =	task.clear_ibuf [dreg:s22], $0x2FFFF;
	_ =	strace $0x9FFFFFFF  }
0xd1: {  	(tm) =	ssettm $0x7FFFFFFF  }
tec
execute0_lowered:
.L_overlay_start_1:
0x0: {  	(tag) =	ssettag $0x1  }
0x1: {  	s1 =	srdreg.scid;
	s2 =	rddreg [dreg:$0x0]  }
0x2: {  	s0 =	stileid.u32;
	s5 =	rddreg [dreg:$0x1];
	s15 =	simm.s32 $0x900  }
0x3: {  	s16 =	simm.s32 $0x1100;
	s17 =	simm.s32 $0x1900;
	s1 =	sand.u32 $0x1, s1  }
0x4: {  	s18 =	simm.s32 $0x2100;
	s3 =	sshll.u32 s0, $0x9;
	s4 =	sshll.u32 s1, $0x8  }
0x5: {  	s19 =	simm.s32 $0x2900;
	s4 =	sor.u32 s4, s3;
	s3 =	simm.s32 $0x0  }
0x6: {  	s20 =	simm.s32 $0x3100;
	s21 =	simm.s32 $0x3900;
	[smem:$0x7FF] =	sst s3  }
0x7: {  	s23 =	simm.s32 $0x4900;
	_ =	strace $0x8000004A;
	[dreg:$0x8] =	wrdreg s15  }
0x8: {  	s24 =	simm.s32 $0x5100;
	s25 =	simm.s32 $0x5900;
	[dreg:$0x9] =	wrdreg s16  }
0x9: {  	s26 =	simm.s32 $0x6100;
	s7 =	simm.s32 $0x4100;
	[dreg:$0xa] =	wrdreg s17  }
0xa: {  	s9 =	simm.s32 $0x7100;
	s10 =	simm.s32 $0x7900;
	[dreg:$0xb] =	wrdreg s18  }
0xb: {  	s28 =	simm.s32 $0x1;
	s29 =	simm.s32 $0x2;
	[dreg:$0xc] =	wrdreg s19  }
0xc: {  	s30 =	simm.s32 $0x3;
	s1 =	ssub.s32 $0x2, s1;
	[dreg:$0xd] =	wrdreg s20  }
0xd: {  	s31 =	simm.s32 $0x4;
	s22 =	sshrl.u32 s1, $0x1;
	[dreg:$0xe] =	wrdreg s21  }
0xe: {  	s6 =	sshrl.u32 s4, $0x3;
	s4 =	sshll.u32 s4, $0x5;
	[dreg:$0xf] =	wrdreg s23  }
0xf: {  	s1 =	ssub.s32 s1, s22;
	s22 =	simm.s32 $0xD900;
	[dreg:$0x10] =	wrdreg s24  }
0x10: {  	s6 =	sadd.s32 s6, s5;
	s4 =	sadd.s32 s4, s5;
	[dreg:$0x11] =	wrdreg s25  }
0x11: {  	s5 =	simm.s32 $0x6;
	[dreg:$0x12] =	wrdreg s26;
	s15 =	simm.s32 $0xA100  }
0x12: {  	s16 =	simm.s32 $0xA900;
	s17 =	simm.s32 $0xB100;
	s18 =	simm.s32 $0xB900  }
0x13: {  	s19 =	simm.s32 $0xC100;
	s20 =	simm.s32 $0xC900;
	s11 =	sadd.s32 $0x42600, s6  }
0x14: {  	s21 =	simm.s32 $0xD100;
	s12 =	sadd.s32 $0x42A00, s4;
	[dreg:$0x3] =	wrdreg s11  }
0x15: {  	s23 =	simm.s32 $0xE100;
	s13 =	sadd.s32 $0x43200, s4;
	[dreg:$0x4] =	wrdreg s12  }
0x16: {  	s24 =	simm.s32 $0xE900;
	s14 =	sadd.s32 $0x43A00, s4;
	[dreg:$0x5] =	wrdreg s13  }
0x17: {  	s25 =	simm.s32 $0xF100;
	s4 =	sadd.s32 $0x44200, s4;
	[dreg:$0x6] =	wrdreg s14  }
0x18: {  	v2 =	vlaneseq.u32;
	s26 =	simm.s32 $0xF900;
	s6 =	simm.s32 $0x100;
	[dreg:$0x7] =	wrdreg s4  }
0x19: {  	vm0 =	vmmov $0xffff;
	v1 =	vshrl.u32 v2, $0x3;
	s4 =	smax.u32 s1, $0x1;
	s11 =	simm.s32 $0x8100;
	s12 =	simm.s32 $0x8900  }
0x1a: {  	v0 =	vand.u32 $0x7, v2;
	v2 =	vor.u32 $0x8, v2;
	v1 =	vmul.u32 $0x8, v1;
	s13 =	simm.s32 $0x9100;
	s14 =	simm.s32 $0x9900;
	s1 =	simm.s32 $0x5  }
.LBB2_1:
0x1b: {  	s0 =	rddreg [dreg:$0x3]  }
0x1c: {  	[tilespmem:s3], [sflag:$0x6] =	stream.linear.gather [hbm4b:s0+s3], $0x100, $0x38;
	[tilespmem:$0x10100] =	vst v63  }
0x1d: {  	_ =	swait.ge [sflag:s5], $0x100  }
0x1e: {  	[sflag:s5] =	ssyncset.done $0x0  }
0x1f: {  	[sflag:s5] =	ssyncadd.s32 $0xFFFFFF00  }
0x20: {  	v3 =	vld [tilespmem:$0x0];
	_ =	sdelay $0x4  }
0x21: {  	v4 =	vshll.u32 v3, $0x1  }
0x22: {  	v3 =	vand.u32 $0x7, v3;
	v4 =	vand.u32 $0xFFFFFFF0, v4  }
0x23: {  	v3 =	vor.u32 v3, v4  }
0x24: {  	v4 =	vperm.xlane v3, v0;
	_ =	sdelay $0x1  }
0x25: {  	v3 =	vperm.xlane v3, v2;
	v4 =	vadd.s32 v1, v4;
	_ =	sdelay $0x1  }
0x26: {  	v3 =	vadd.s32 v1, v3;
	_ =	sdelay $0x2  }
0x27: {  	[tilespmem:s6], [sflag:$0x1] =	stream.indirect_vreg.gather [hbm4b:s2+s3], $0x80, v4, vm0, $0xb8;
	[tilespmem:$0x10100] =	vst v63  }
0x28: {  	s8 =	rddreg [dreg:$0x8]  }
0x29: {  	[tilespmem:s8], [sflag:$0x1] =	stream.indirect_vreg.gather [hbm4b:s2+s3], $0x80, v3, vm0, $0xb8;
	[tilespmem:$0x10100] =	vst v63  }
0x2a: {  	v3 =	vld [tilespmem:$0x10];
	_ =	sdelay $0x4  }
0x2b: {  	v49 =	vshll.u32 v3, $0x1  }
0x2c: {  	v3 =	vand.u32 $0x7, v3;
	v4 =	vand.u32 $0xFFFFFFF0, v49  }
0x2d: {  	v3 =	vor.u32 v3, v4  }
0x2e: {  	v4 =	vperm.xlane v3, v0;
	_ =	sdelay $0x1  }
0x2f: {  	v3 =	vperm.xlane v3, v2;
	v4 =	vadd.s32 v1, v4;
	_ =	sdelay $0x1  }
0x30: {  	v3 =	vadd.s32 v1, v3;
	_ =	sdelay $0x1  }
0x31: {  	s0 =	rddreg [dreg:$0x9]  }
0x32: {  	[tilespmem:s0], [sflag:$0x1] =	stream.indirect_vreg.gather [hbm4b:s2+s3], $0x80, v4, vm0, $0xb8;
	[tilespmem:$0x10100] =	vst v63  }
0x33: {  	s8 =	rddreg [dreg:$0xa]  }
0x34: {  	[tilespmem:s8], [sflag:$0x1] =	stream.indirect_vreg.gather [hbm4b:s2+s3], $0x80, v3, vm0, $0xb8;
	[tilespmem:$0x10100] =	vst v63  }
0x35: {  	v3 =	vld [tilespmem:$0x20];
	_ =	sdelay $0x4  }
0x36: {  	v50 =	vshll.u32 v3, $0x1  }
0x37: {  	v3 =	vand.u32 $0x7, v3;
	v4 =	vand.u32 $0xFFFFFFF0, v50  }
0x38: {  	v3 =	vor.u32 v3, v4  }
0x39: {  	v4 =	vperm.xlane v3, v0;
	_ =	sdelay $0x1  }
0x3a: {  	v3 =	vperm.xlane v3, v2;
	v4 =	vadd.s32 v1, v4;
	_ =	sdelay $0x1  }
0x3b: {  	v3 =	vadd.s32 v1, v3;
	_ =	sdelay $0x1  }
0x3c: {  	s0 =	rddreg [dreg:$0xb]  }
0x3d: {  	[tilespmem:s0], [sflag:$0x1] =	stream.indirect_vreg.gather [hbm4b:s2+s3], $0x80, v4, vm0, $0xb8;
	[tilespmem:$0x10100] =	vst v63  }
0x3e: {  	s8 =	rddreg [dreg:$0xc]  }
0x3f: {  	[tilespmem:s8], [sflag:$0x1] =	stream.indirect_vreg.gather [hbm4b:s2+s3], $0x80, v3, vm0, $0xb8;
	[tilespmem:$0x10100] =	vst v63  }
0x40: {  	v3 =	vld [tilespmem:$0x30];
	_ =	sdelay $0x4  }
0x41: {  	v51 =	vshll.u32 v3, $0x1  }
0x42: {  	v3 =	vand.u32 $0x7, v3;
	v4 =	vand.u32 $0xFFFFFFF0, v51  }
0x43: {  	v3 =	vor.u32 v3, v4  }
0x44: {  	v4 =	vperm.xlane v3, v0;
	_ =	sdelay $0x1  }
0x45: {  	v3 =	vperm.xlane v3, v2;
	v4 =	vadd.s32 v1, v4;
	_ =	sdelay $0x1  }
0x46: {  	v3 =	vadd.s32 v1, v3;
	_ =	sdelay $0x1  }
0x47: {  	s0 =	rddreg [dreg:$0xd]  }
0x48: {  	[tilespmem:s0], [sflag:$0x1] =	stream.indirect_vreg.gather [hbm4b:s2+s3], $0x80, v4, vm0, $0xb8;
	[tilespmem:$0x10100] =	vst v63  }
0x49: {  	s8 =	rddreg [dreg:$0xe]  }
0x4a: {  	[tilespmem:s8], [sflag:$0x1] =	stream.indirect_vreg.gather [hbm4b:s2+s3], $0x80, v3, vm0, $0xb8;
	[tilespmem:$0x10100] =	vst v63  }
0x4b: {  	v3 =	vld [tilespmem:$0x40];
	_ =	sdelay $0x4  }
0x4c: {  	v52 =	vshll.u32 v3, $0x1  }
0x4d: {  	v3 =	vand.u32 $0x7, v3;
	v4 =	vand.u32 $0xFFFFFFF0, v52  }
0x4e: {  	v3 =	vor.u32 v3, v4  }
0x4f: {  	v4 =	vperm.xlane v3, v0;
	_ =	sdelay $0x1  }
0x50: {  	v3 =	vperm.xlane v3, v2;
	v4 =	vadd.s32 v1, v4;
	_ =	sdelay $0x1  }
0x51: {  	v3 =	vadd.s32 v1, v3;
	_ =	sdelay $0x2  }
0x52: {  	[tilespmem:s7], [sflag:$0x2] =	stream.indirect_vreg.gather [hbm4b:s2+s3], $0x80, v4, vm0, $0xb8;
	[tilespmem:$0x10100] =	vst v63  }
0x53: {  	s8 =	rddreg [dreg:$0xf]  }
0x54: {  	[tilespmem:s8], [sflag:$0x2] =	stream.indirect_vreg.gather [hbm4b:s2+s3], $0x80, v3, vm0, $0xb8;
	[tilespmem:$0x10100] =	vst v63  }
0x55: {  	v3 =	vld [tilespmem:$0x50];
	_ =	sdelay $0x4  }
0x56: {  	v53 =	vshll.u32 v3, $0x1  }
0x57: {  	v3 =	vand.u32 $0x7, v3;
	v4 =	vand.u32 $0xFFFFFFF0, v53  }
0x58: {  	v3 =	vor.u32 v3, v4  }
0x59: {  	v4 =	vperm.xlane v3, v0;
	_ =	sdelay $0x1  }
0x5a: {  	v3 =	vperm.xlane v3, v2;
	v4 =	vadd.s32 v1, v4;
	_ =	sdelay $0x1  }
0x5b: {  	v3 =	vadd.s32 v1, v3;
	_ =	sdelay $0x1  }
0x5c: {  	s0 =	rddreg [dreg:$0x10]  }
0x5d: {  	[tilespmem:s0], [sflag:$0x2] =	stream.indirect_vreg.gather [hbm4b:s2+s3], $0x80, v4, vm0, $0xb8;
	[tilespmem:$0x10100] =	vst v63  }
0x5e: {  	s8 =	rddreg [dreg:$0x11]  }
0x5f: {  	[tilespmem:s8], [sflag:$0x2] =	stream.indirect_vreg.gather [hbm4b:s2+s3], $0x80, v3, vm0, $0xb8;
	[tilespmem:$0x10100] =	vst v63  }
0x60: {  	v3 =	vld [tilespmem:$0x60];
	_ =	sdelay $0x4  }
0x61: {  	v54 =	vshll.u32 v3, $0x1  }
0x62: {  	v3 =	vand.u32 $0x7, v3;
	v4 =	vand.u32 $0xFFFFFFF0, v54  }
0x63: {  	v3 =	vor.u32 v3, v4  }
0x64: {  	v4 =	vperm.xlane v3, v0;
	_ =	sdelay $0x1  }
0x65: {  	v3 =	vperm.xlane v3, v2;
	v4 =	vadd.s32 v1, v4;
	_ =	sdelay $0x1  }
0x66: {  	v3 =	vadd.s32 v1, v3;
	_ =	sdelay $0x1  }
0x67: {  	s8 =	rddreg [dreg:$0x12]  }
0x68: {  	[tilespmem:s8], [sflag:$0x2] =	stream.indirect_vreg.gather [hbm4b:s2+s3], $0x80, v4, vm0, $0xb8;
	[tilespmem:$0x10100] =	vst v63  }
0x69: {  	s8 =	simm.s32 $0x6900  }
0x6a: {  	[tilespmem:s8], [sflag:$0x2] =	stream.indirect_vreg.gather [hbm4b:s2+s3], $0x80, v3, vm0, $0xb8;
	[tilespmem:$0x10100] =	vst v63  }
0x6b: {  	v3 =	vld [tilespmem:$0x70];
	_ =	sdelay $0x4  }
0x6c: {  	v55 =	vshll.u32 v3, $0x1  }
0x6d: {  	v3 =	vand.u32 $0x7, v3;
	v4 =	vand.u32 $0xFFFFFFF0, v55  }
0x6e: {  	v3 =	vor.u32 v3, v4  }
0x6f: {  	v4 =	vperm.xlane v3, v0;
	_ =	sdelay $0x1  }
0x70: {  	v3 =	vperm.xlane v3, v2;
	v4 =	vadd.s32 v1, v4;
	_ =	sdelay $0x1  }
0x71: {  	v3 =	vadd.s32 v1, v3;
	_ =	sdelay $0x2  }
0x72: {  	[tilespmem:s9], [sflag:$0x2] =	stream.indirect_vreg.gather [hbm4b:s2+s3], $0x80, v4, vm0, $0xb8;
	[tilespmem:$0x10100] =	vst v63  }
0x73: {  	_ = 	snop  }
0x74: {  	[tilespmem:s10], [sflag:$0x2] =	stream.indirect_vreg.gather [hbm4b:s2+s3], $0x80, v3, vm0, $0xb8;
	[tilespmem:$0x10100] =	vst v63  }
0x75: {  	v3 =	vld [tilespmem:$0x80];
	_ =	sdelay $0x4  }
0x76: {  	v56 =	vshll.u32 v3, $0x1  }
0x77: {  	v3 =	vand.u32 $0x7, v3;
	v4 =	vand.u32 $0xFFFFFFF0, v56  }
0x78: {  	v3 =	vor.u32 v3, v4  }
0x79: {  	v4 =	vperm.xlane v3, v0;
	_ =	sdelay $0x1  }
0x7a: {  	v3 =	vperm.xlane v3, v2;
	v4 =	vadd.s32 v1, v4;
	_ =	sdelay $0x1  }
0x7b: {  	v3 =	vadd.s32 v1, v3;
	_ =	sdelay $0x2  }
0x7c: {  	[tilespmem:s11], [sflag:$0x3] =	stream.indirect_vreg.gather [hbm4b:s2+s3], $0x80, v4, vm0, $0xb8;
	[tilespmem:$0x10100] =	vst v63  }
0x7d: {  	_ = 	snop  }
0x7e: {  	[tilespmem:s12], [sflag:$0x3] =	stream.indirect_vreg.gather [hbm4b:s2+s3], $0x80, v3, vm0, $0xb8;
	[tilespmem:$0x10100] =	vst v63  }
0x7f: {  	v3 =	vld [tilespmem:$0x90];
	_ =	sdelay $0x4  }
0x80: {  	v57 =	vshll.u32 v3, $0x1  }
0x81: {  	v3 =	vand.u32 $0x7, v3;
	v4 =	vand.u32 $0xFFFFFFF0, v57  }
0x82: {  	v3 =	vor.u32 v3, v4  }
0x83: {  	v4 =	vperm.xlane v3, v0;
	_ =	sdelay $0x1  }
0x84: {  	v3 =	vperm.xlane v3, v2;
	v4 =	vadd.s32 v1, v4;
	_ =	sdelay $0x1  }
0x85: {  	v3 =	vadd.s32 v1, v3;
	_ =	sdelay $0x2  }
0x86: {  	[tilespmem:s13], [sflag:$0x3] =	stream.indirect_vreg.gather [hbm4b:s2+s3], $0x80, v4, vm0, $0xb8;
	[tilespmem:$0x10100] =	vst v63  }
0x87: {  	_ = 	snop  }
0x88: {  	[tilespmem:s14], [sflag:$0x3] =	stream.indirect_vreg.gather [hbm4b:s2+s3], $0x80, v3, vm0, $0xb8;
	[tilespmem:$0x10100] =	vst v63  }
0x89: {  	v3 =	vld [tilespmem:$0xA0];
	_ =	sdelay $0x4  }
0x8a: {  	v58 =	vshll.u32 v3, $0x1  }
0x8b: {  	v3 =	vand.u32 $0x7, v3;
	v4 =	vand.u32 $0xFFFFFFF0, v58  }
0x8c: {  	v3 =	vor.u32 v3, v4  }
0x8d: {  	v4 =	vperm.xlane v3, v0;
	_ =	sdelay $0x1  }
0x8e: {  	v3 =	vperm.xlane v3, v2;
	v4 =	vadd.s32 v1, v4;
	_ =	sdelay $0x1  }
0x8f: {  	v3 =	vadd.s32 v1, v3;
	_ =	sdelay $0x2  }
0x90: {  	[tilespmem:s15], [sflag:$0x3] =	stream.indirect_vreg.gather [hbm4b:s2+s3], $0x80, v4, vm0, $0xb8;
	[tilespmem:$0x10100] =	vst v63  }
0x91: {  	_ = 	snop  }
0x92: {  	[tilespmem:s16], [sflag:$0x3] =	stream.indirect_vreg.gather [hbm4b:s2+s3], $0x80, v3, vm0, $0xb8;
	[tilespmem:$0x10100] =	vst v63  }
0x93: {  	v3 =	vld [tilespmem:$0xB0];
	_ =	sdelay $0x4  }
0x94: {  	v59 =	vshll.u32 v3, $0x1  }
0x95: {  	v3 =	vand.u32 $0x7, v3;
	v4 =	vand.u32 $0xFFFFFFF0, v59  }
0x96: {  	v3 =	vor.u32 v3, v4  }
0x97: {  	v4 =	vperm.xlane v3, v0;
	_ =	sdelay $0x1  }
0x98: {  	v3 =	vperm.xlane v3, v2;
	v4 =	vadd.s32 v1, v4;
	_ =	sdelay $0x1  }
0x99: {  	v3 =	vadd.s32 v1, v3;
	_ =	sdelay $0x2  }
0x9a: {  	[tilespmem:s17], [sflag:$0x3] =	stream.indirect_vreg.gather [hbm4b:s2+s3], $0x80, v4, vm0, $0xb8;
	[tilespmem:$0x10100] =	vst v63  }
0x9b: {  	_ = 	snop  }
0x9c: {  	[tilespmem:s18], [sflag:$0x3] =	stream.indirect_vreg.gather [hbm4b:s2+s3], $0x80, v3, vm0, $0xb8;
	[tilespmem:$0x10100] =	vst v63  }
0x9d: {  	v3 =	vld [tilespmem:$0xC0];
	_ =	sdelay $0x4  }
0x9e: {  	v60 =	vshll.u32 v3, $0x1  }
0x9f: {  	v3 =	vand.u32 $0x7, v3;
	v4 =	vand.u32 $0xFFFFFFF0, v60  }
0xa0: {  	v3 =	vor.u32 v3, v4  }
0xa1: {  	v4 =	vperm.xlane v3, v0;
	_ =	sdelay $0x1  }
0xa2: {  	v3 =	vperm.xlane v3, v2;
	v4 =	vadd.s32 v1, v4;
	_ =	sdelay $0x1  }
0xa3: {  	v3 =	vadd.s32 v1, v3;
	_ =	sdelay $0x2  }
0xa4: {  	[tilespmem:s19], [sflag:$0x4] =	stream.indirect_vreg.gather [hbm4b:s2+s3], $0x80, v4, vm0, $0xb8;
	[tilespmem:$0x10100] =	vst v63  }
0xa5: {  	_ = 	snop  }
0xa6: {  	[tilespmem:s20], [sflag:$0x4] =	stream.indirect_vreg.gather [hbm4b:s2+s3], $0x80, v3, vm0, $0xb8;
	[tilespmem:$0x10100] =	vst v63  }
0xa7: {  	v3 =	vld [tilespmem:$0xD0];
	_ =	sdelay $0x4  }
0xa8: {  	v61 =	vshll.u32 v3, $0x1  }
0xa9: {  	v3 =	vand.u32 $0x7, v3;
	v4 =	vand.u32 $0xFFFFFFF0, v61  }
0xaa: {  	v3 =	vor.u32 v3, v4  }
0xab: {  	v4 =	vperm.xlane v3, v0;
	_ =	sdelay $0x1  }
0xac: {  	v3 =	vperm.xlane v3, v2;
	v4 =	vadd.s32 v1, v4;
	_ =	sdelay $0x1  }
0xad: {  	v3 =	vadd.s32 v1, v3;
	_ =	sdelay $0x2  }
0xae: {  	[tilespmem:s21], [sflag:$0x4] =	stream.indirect_vreg.gather [hbm4b:s2+s3], $0x80, v4, vm0, $0xb8;
	[tilespmem:$0x10100] =	vst v63  }
0xaf: {  	_ = 	snop  }
0xb0: {  	[tilespmem:s22], [sflag:$0x4] =	stream.indirect_vreg.gather [hbm4b:s2+s3], $0x80, v3, vm0, $0xb8;
	[tilespmem:$0x10100] =	vst v63  }
0xb1: {  	v3 =	vld [tilespmem:$0xE0];
	_ =	sdelay $0x4  }
0xb2: {  	v62 =	vshll.u32 v3, $0x1  }
0xb3: {  	v3 =	vand.u32 $0x7, v3;
	v4 =	vand.u32 $0xFFFFFFF0, v62  }
0xb4: {  	v3 =	vor.u32 v3, v4  }
0xb5: {  	v4 =	vperm.xlane v3, v0;
	_ =	sdelay $0x1  }
0xb6: {  	v3 =	vperm.xlane v3, v2;
	v4 =	vadd.s32 v1, v4;
	_ =	sdelay $0x1  }
0xb7: {  	v3 =	vadd.s32 v1, v3;
	_ =	sdelay $0x2  }
0xb8: {  	[tilespmem:s23], [sflag:$0x4] =	stream.indirect_vreg.gather [hbm4b:s2+s3], $0x80, v4, vm0, $0xb8;
	[tilespmem:$0x10100] =	vst v63  }
0xb9: {  	_ = 	snop  }
0xba: {  	[tilespmem:s24], [sflag:$0x4] =	stream.indirect_vreg.gather [hbm4b:s2+s3], $0x80, v3, vm0, $0xb8;
	[tilespmem:$0x10100] =	vst v63  }
0xbb: {  	v3 =	vld [tilespmem:$0xF0];
	_ =	sdelay $0x4  }
0xbc: {  	v63 =	vshll.u32 v3, $0x1  }
0xbd: {  	v3 =	vand.u32 $0x7, v3;
	v4 =	vand.u32 $0xFFFFFFF0, v63  }
0xbe: {  	v3 =	vor.u32 v3, v4  }
0xbf: {  	v4 =	vperm.xlane v3, v0;
	_ =	sdelay $0x1  }
0xc0: {  	v3 =	vperm.xlane v3, v2;
	v4 =	vadd.s32 v1, v4;
	_ =	sdelay $0x1  }
0xc1: {  	v3 =	vadd.s32 v1, v3;
	_ =	sdelay $0x2  }
0xc2: {  	[tilespmem:s25], [sflag:$0x4] =	stream.indirect_vreg.gather [hbm4b:s2+s3], $0x80, v4, vm0, $0xb8;
	[tilespmem:$0x10100] =	vst v63  }
0xc3: {  	_ = 	snop  }
0xc4: {  	[tilespmem:s26], [sflag:$0x4] =	stream.indirect_vreg.gather [hbm4b:s2+s3], $0x80, v3, vm0, $0xb8;
	[tilespmem:$0x10100] =	vst v63  }
0xc5: {  	_ =	swait.ge [sflag:s28], $0x4000  }
0xc6: {  	[sflag:s28] =	ssyncset.done $0x0  }
0xc7: {  	s8 =	rddreg [dreg:$0x4];
	[sflag:s28] =	ssyncadd.s32 $0xFFFFC000  }
0xc8: {  	[hbm4b:s8+s3] =	stream.linear.scatter [tilespmem:s6], [sflag:$0x5], $0x4000, $0x38;
	[tilespmem:$0x10100] =	vst v63  }
0xc9: {  	_ =	swait.ge [sflag:s29], $0x4000  }
0xca: {  	[sflag:s29] =	ssyncset.done $0x0  }
0xcb: {  	s8 =	rddreg [dreg:$0x5];
	[sflag:s29] =	ssyncadd.s32 $0xFFFFC000  }
0xcc: {  	[hbm4b:s8+s3] =	stream.linear.scatter [tilespmem:s7], [sflag:$0x5], $0x4000, $0x38;
	[tilespmem:$0x10100] =	vst v63  }
0xcd: {  	_ =	swait.ge [sflag:s30], $0x4000  }
0xce: {  	[sflag:s30] =	ssyncset.done $0x0  }
0xcf: {  	s8 =	rddreg [dreg:$0x6];
	[sflag:s30] =	ssyncadd.s32 $0xFFFFC000  }
0xd0: {  	[hbm4b:s8+s3] =	stream.linear.scatter [tilespmem:s11], [sflag:$0x5], $0x4000, $0x38;
	[tilespmem:$0x10100] =	vst v63  }
0xd1: {  	_ =	swait.ge [sflag:s31], $0x4000  }
0xd2: {  	[sflag:s31] =	ssyncset.done $0x0  }
0xd3: {  	s8 =	rddreg [dreg:$0x7];
	[sflag:s31] =	ssyncadd.s32 $0xFFFFC000  }
0xd4: {  	[hbm4b:s8+s3] =	stream.linear.scatter [tilespmem:s19], [sflag:$0x5], $0x4000, $0x38;
	[tilespmem:$0x10100] =	vst v63  }
0xd5: {  	_ =	swait.ge [sflag:s1], $0x4000  }
0xd6: {  	[sflag:s1] =	ssyncset.done $0x0  }
0xd7: {  	[sflag:s1] =	ssyncadd.s32 $0xFFFFC000  }
0xd8: {  	_ =	swait.ge [sflag:s1], $0x4000  }
0xd9: {  	[sflag:s1] =	ssyncset.done $0x0  }
0xda: {  	[sflag:s1] =	ssyncadd.s32 $0xFFFFC000  }
0xdb: {  	p0 =	sne.s32 s4, $0x1;
	_ =	swait.ge [sflag:s1], $0x4000  }
.Ltmp0:
0xdc: {  	[sflag:s1] =	ssyncset.done $0x0;
	(pc) =	sbr.rel @p0 .LBB2_1-.Ltmp0, $4  }
0xdd: {  	[sflag:s1] =	ssyncadd.s32 $0xFFFFC000  }
0xde: {  	_ =	swait.ge [sflag:s1], $0x4000  }
0xdf: {  	[sflag:s1] =	ssyncset.done $0x0  }
0xe0: {  	s4 =	sadd.s32 $0xFFFFFFFF, s4;
	[sflag:s1] =	ssyncadd.s32 $0xFFFFC000  }
0xe1: {  	_ =	sfence.sel $0x180000  }
0xe2: {  	[bflag:$0x0] =	sbarrier.arrive $0xFFFF  }
0xe3: {  	_ =	strace $0x9000004A  }
0xe4: {  	s0 =	stileid.u32;
	[bflag:$0x2] =	sbarrier.arrive $0xFFFF  }
0xe5: {  	p0 =	sne.s32 s0, $0x0;
	s0 =	rddreg [dreg:$0x2]  }
0xe6: {  	s0 =	sadd.s32 @!p0 $0x100000, s0  }
0xe7: {  	[sflag:s0] =	ssyncadd.tile.s32 @!p0 $0x1;
	_ =	shalt  }
.Lfunc_end2:
_tile_overlayer_lowered:
.L_overlay_start_2:
0xe8: {  	(tag) =	ssettag $0x2  }
0xe9: {  	s0 =	rddreg [dreg:$0x0];
	s2 =	stileid.u32  }
0xea: {  	s1 =	rddreg [dreg:$0x1];
	p0 =	sne.s32 s2, $0x0  }
0xeb: {  	s3 =	rddreg [dreg:$0x2];
	[bflag:$0x3] =	sbarrier.arrive $0xFFFF;
	s2 =	simm.s32 @!p0 $0x1C06  }
0xec: {  	[timem:s3], [sflag:s2] =	dma.local @!p0 [hbm:s0], s1  }
0xed: {  	s0 =	simm.s32 @!p0 $0x6  }
0xee: {  	_ =	swait.ge @!p0 [sflag:s0], s1  }
0xef: {  	s1 =	ssub.s32 @!p0 $0x0, s1;
	[sflag:s0] =	ssyncset.done @!p0 $0x0  }
0xf0: {  	[sflag:s0] =	ssyncadd.s32 @!p0 s1  }
0xf1: {  	[bflag:$0x3] =	sbarrier.arrive $0xFFFF  }
0xf2: {  	_ =	shalt  }

</sc_bundles>
